<compile_context>
chip_gen: v7x
topology: tpu7x:2x2x1
jax: 0.10.2.dev20260603
libtpu: 0.0.44.dev20260713+nightly
codegen_flags: <defaults>
</compile_context>

<pallas_src>
import functools

import jax
import jax.numpy as jnp
from jax import lax
from jax.experimental import pallas as pl
from jax.experimental.pallas import tpu as pltpu
from jax.experimental.pallas import tpu_sc as plsc

B = 16384
DIM = 64
TEXT_DIM = 768
NTAB = 1000

NC = 2
NS = 16
NW = NC * NS

NSPLIT = 2
BSUB = B // NSPLIT
ROWS_W = BSUB // NW

QCH = 64
NQC = ROWS_W // QCH

BLK = 1024


def _sc_gather(prompt, q_tab):
  mesh = plsc.VectorSubcoreMesh(core_axis_name="c", subcore_axis_name="s")

  @functools.partial(
      pl.kernel,
      mesh=mesh,
      out_type=jax.ShapeDtypeStruct((BSUB, TEXT_DIM), jnp.float32),
      scratch_types=[
          pltpu.VMEM((ROWS_W,), jnp.int32),
          pltpu.VMEM((QCH, TEXT_DIM), jnp.float32),
          pltpu.VMEM((QCH, TEXT_DIM), jnp.float32),
          pltpu.SemaphoreType.DMA,
          pltpu.SemaphoreType.DMA,
          pltpu.SemaphoreType.DMA,
          pltpu.SemaphoreType.DMA,
      ],
  )
  def k(prompt_hbm, qt_hbm, qraw_out, qidx, qbuf0, qbuf1,
        gsem0, gsem1, wsem0, wsem1):
    cid = lax.axis_index("c")
    sid = lax.axis_index("s")
    wid = sid * NC + cid
    base = wid * ROWS_W
    pltpu.sync_copy(prompt_hbm.at[pl.ds(base, ROWS_W)], qidx)

    qbufs = (qbuf0, qbuf1)
    gsems = (gsem0, gsem1)
    wsems = (wsem0, wsem1)

    gcp = {}
    wcp = {}
    gcp[0] = pltpu.async_copy(
        qt_hbm.at[qidx.at[pl.ds(0, QCH)]], qbufs[0], gsems[0])
    for c in range(NQC):
      b = c % 2
      gcp[c].wait()
      wcp[c] = pltpu.async_copy(
          qbufs[b], qraw_out.at[pl.ds(base + c * QCH, QCH)], wsems[b])
      if c + 1 < NQC:
        if c >= 1:
          wcp[c - 1].wait()
        gcp[c + 1] = pltpu.async_copy(
            qt_hbm.at[qidx.at[pl.ds((c + 1) * QCH, QCH)]],
            qbufs[1 - b], gsems[1 - b])
    wcp[NQC - 2].wait()
    wcp[NQC - 1].wait()

  return k(prompt, q_tab)


def _tc_dense(qraw, mid, cid, p_tab, c_tab, w_text, b_text, w_cls, b_cls):
  nblk = BSUB // BLK

  def body(q_ref, m_ref, c_ref, pt_ref, ct_ref, wt_ref, bt_ref, wc_ref,
           bc_ref, out_ref):
    q = jnp.dot(q_ref[...], wt_ref[...],
                preferred_element_type=jnp.float32) + bt_ref[...]
    iota = lax.broadcasted_iota(jnp.int32, (BLK, NTAB), 1)
    oh_m = (m_ref[...] == iota).astype(jnp.float32)
    oh_c = (c_ref[...] == iota).astype(jnp.float32)
    p = jnp.dot(oh_m, pt_ref[...], preferred_element_type=jnp.float32)
    v = jnp.dot(oh_c, ct_ref[...], preferred_element_type=jnp.float32)
    h = q * (p + v) + p * v
    out_ref[...] = jnp.dot(h, wc_ref[...],
                           preferred_element_type=jnp.float32) + bc_ref[...]

  return pl.pallas_call(
      body,
      grid=(nblk,),
      in_specs=[
          pl.BlockSpec((BLK, TEXT_DIM), lambda i: (i, 0)),
          pl.BlockSpec((BLK, 1), lambda i: (i, 0)),
          pl.BlockSpec((BLK, 1), lambda i: (i, 0)),
          pl.BlockSpec((NTAB, DIM), lambda i: (0, 0)),
          pl.BlockSpec((NTAB, DIM), lambda i: (0, 0)),
          pl.BlockSpec((TEXT_DIM, DIM), lambda i: (0, 0)),
          pl.BlockSpec((1, DIM), lambda i: (0, 0)),
          pl.BlockSpec((DIM, 2), lambda i: (0, 0)),
          pl.BlockSpec((1, 2), lambda i: (0, 0)),
      ],
      out_specs=pl.BlockSpec((BLK, 2), lambda i: (i, 0)),
      out_shape=jax.ShapeDtypeStruct((BSUB, 2), jnp.float32),
  )(qraw, mid, cid, p_tab, c_tab, w_text, b_text, w_cls, b_cls)


def kernel(model, prompt, category, P, Q, W_text, b_text, cat_emb, W_cls,
           b_cls):
  mid = model.reshape(B, 1)
  cid = category.reshape(B, 1)
  bt = b_text.reshape(1, DIM)
  bc = b_cls.reshape(1, 2)
  qraws = [
      _sc_gather(prompt[i * BSUB:(i + 1) * BSUB], Q) for i in range(NSPLIT)
  ]
  outs = [
      _tc_dense(qraws[i], mid[i * BSUB:(i + 1) * BSUB],
                cid[i * BSUB:(i + 1) * BSUB], P, cat_emb, W_text, bt,
                W_cls, bc) for i in range(NSPLIT)
  ]
  return jnp.concatenate(outs, axis=0)

# --- scband reference (transcript-rebuilt; emitter-appended) ---
"""Pipeline reference for scband-fm-16475494547969 (READ-ONLY COPY).

The authoritative reference and input builder live on the scoring server;
editing this copy changes nothing except your own understanding.
"""

import jax, jax.numpy as jnp
import numpy as np

B = 16384
DIM = 64
NUM_MODELS = 1000
NUM_PROMPTS = 100000
NUM_CATEGORIES = 1000
TEXT_DIM = 768


def setup_inputs(seed: int = 0) -> dict:
    key = jax.random.key(seed)
    ks = jax.random.split(key, 10)
    model = jax.random.randint(ks[0], (B,), 0, NUM_MODELS, dtype=jnp.int64 if jax.config.jax_enable_x64 else jnp.int32).astype(jnp.int32)
    prompt = jax.random.randint(ks[1], (B,), 0, NUM_PROMPTS).astype(jnp.int32)
    category = jax.random.randint(ks[2], (B,), 0, NUM_CATEGORIES).astype(jnp.int32)
    P = jax.random.normal(ks[3], (NUM_MODELS, DIM), dtype=jnp.float32) * 0.02
    Q = jax.random.normal(ks[4], (NUM_PROMPTS, TEXT_DIM), dtype=jnp.float32) * 0.02
    W_text = jax.random.normal(ks[5], (TEXT_DIM, DIM), dtype=jnp.float32) * (1.0 / np.sqrt(TEXT_DIM))
    b_text = jnp.zeros((DIM,), dtype=jnp.float32)
    cat_emb = jax.random.normal(ks[6], (NUM_CATEGORIES, DIM), dtype=jnp.float32) * 0.02
    W_cls = jax.random.normal(ks[7], (DIM, 2), dtype=jnp.float32) * (1.0 / np.sqrt(DIM))
    b_cls = jnp.zeros((2,), dtype=jnp.float32)
    return {
        "model": model,
        "prompt": prompt,
        "category": category,
        "P": P,
        "Q": Q,
        "W_text": W_text,
        "b_text": b_text,
        "cat_emb": cat_emb,
        "W_cls": W_cls,
        "b_cls": b_cls,
    }


def reference(model, prompt, category, P, Q, W_text, b_text, cat_emb, W_cls, b_cls):
    # p = self.P(model)
    p = jnp.take(P, model, axis=0)
    # q = self.text_proj(self.Q(prompt))  (Q frozen, text_proj = Linear(text_dim, dim))
    q_raw = jnp.take(Q, prompt, axis=0)
    q = q_raw @ W_text + b_text
    # v = self.category_embedding(category)
    v = jnp.take(cat_emb, category, axis=0)
    # classifier(p*q + q*v + p*v)
    h = p * q + q * v + p * v
    logits = h @ W_cls + b_cls
    return logits

if __name__ == "__main__":
    import jax
    _d = setup_inputs()
    print(jax.jit(kernel)(*tuple(_d.values())))

</pallas_src>

<mosaic_0001>
#map = affine_map<(d0, d1) -> (0)>
#map1 = affine_map<(d0, d1) -> (0, 0)>
module attributes {stable_mosaic.version = 14 : i64} {
  func.func @k(%arg0: i32, %arg1: i32, %arg2: memref<8192xi32, #tpu.memory_space<hbm>>, %arg3: memref<100000x768xf32, #tpu.memory_space<hbm>>, %arg4: memref<8192x768xf32, #tpu.memory_space<hbm>>, %arg5: memref<256xi32, #tpu.memory_space<vmem>>, %arg6: memref<64x768xf32, #tpu.memory_space<vmem>>, %arg7: memref<64x768xf32, #tpu.memory_space<vmem>>, %arg8: memref<!tpu.dma_semaphore, #tpu.memory_space<semaphore_mem>>, %arg9: memref<!tpu.dma_semaphore, #tpu.memory_space<semaphore_mem>>, %arg10: memref<!tpu.dma_semaphore, #tpu.memory_space<semaphore_mem>>, %arg11: memref<!tpu.dma_semaphore, #tpu.memory_space<semaphore_mem>>) attributes {dimension_semantics = [#tpu.dimension_semantics<core_parallel>, #tpu.dimension_semantics<subcore_parallel>], iteration_bounds = array<i64: 2, 16>, scalar_prefetch = 0 : i64, scratch_operands = 7 : i64, tpu.core_type = #tpu.core_type<sc_vector_subcore>, window_params = [{transform_indices = #map}, {transform_indices = #map1}, {transform_indices = #map1}]} {
    %mul3A = arith.constant 2 : i32
    %mul3A_0 = arith.muli %arg1, %mul3A : i32
    %add3A = arith.addi %mul3A_0, %arg0 : i32
    %mul3A_1 = arith.constant 256 : i32
    %mul3A_2 = arith.muli %add3A, %mul3A_1 : i32
    "tpu.region"() ({
      %run_scoped3A = tpu.sem_alloc : memref<!tpu.dma_semaphore, #tpu.memory_space<semaphore_mem>>
      %dma_start3A_81 = tpu.memref_slice %arg2[%mul3A_2] : memref<8192xi32, #tpu.memory_space<hbm>> -> memref<256xi32, #tpu.memory_space<hbm>>
      %dma_start3A_82 = tpu.memref_slice %arg2[%mul3A_2] : memref<8192xi32, #tpu.memory_space<hbm>> -> memref<256xi32, #tpu.memory_space<hbm>>
      tpu.enqueue_dma source(%dma_start3A_82 : memref<256xi32, #tpu.memory_space<hbm>>) target(%arg5 : memref<256xi32, #tpu.memory_space<vmem>>) target_semaphore(%run_scoped3A : memref<!tpu.dma_semaphore, #tpu.memory_space<semaphore_mem>>)
      %dma_wait3A_83 = tpu.memref_slice %arg2[%mul3A_2] : memref<8192xi32, #tpu.memory_space<hbm>> -> memref<256xi32, #tpu.memory_space<hbm>>
      %dma_wait3A_84 = tpu.memref_slice %arg2[%mul3A_2] : memref<8192xi32, #tpu.memory_space<hbm>> -> memref<256xi32, #tpu.memory_space<hbm>>
      tpu.wait_dma2 semaphore(%run_scoped3A : memref<!tpu.dma_semaphore, #tpu.memory_space<semaphore_mem>>) src(%dma_wait3A_84 : memref<256xi32, #tpu.memory_space<hbm>>) dst(%arg5 : memref<256xi32, #tpu.memory_space<vmem>>)
      tpu.yield
    }) : () -> ()
    %dma_start3A = arith.constant 0 : i32
    %dma_start3A_3 = tpu.memref_slice %arg5[%dma_start3A] : memref<256xi32, #tpu.memory_space<vmem>> -> memref<64xi32, #tpu.memory_space<vmem>>
    %dma_start3A_4 = arith.constant 0 : i32
    %dma_start3A_5 = arith.constant 0 : i32
    %dma_start3A_6 = tpu.memref_slice %arg3[%dma_start3A_4, %dma_start3A_5] : memref<100000x768xf32, #tpu.memory_space<hbm>> -> memref<100000x768xf32, #tpu.memory_space<hbm>>
    tpu.enqueue_indirect_dma source(%dma_start3A_6 : memref<100000x768xf32, #tpu.memory_space<hbm>>) target(%arg6 : memref<64x768xf32, #tpu.memory_space<vmem>>) offsets(%dma_start3A_3 : memref<64xi32, #tpu.memory_space<vmem>>) semaphore(%arg8 : memref<!tpu.dma_semaphore, #tpu.memory_space<semaphore_mem>>)
    %dma_wait3A = arith.constant 0 : i32
    %dma_wait3A_7 = tpu.memref_slice %arg5[%dma_wait3A] : memref<256xi32, #tpu.memory_space<vmem>> -> memref<64xi32, #tpu.memory_space<vmem>>
    %dma_wait3A_8 = arith.constant 0 : i32
    %dma_wait3A_9 = arith.constant 0 : i32
    %dma_wait3A_10 = tpu.memref_slice %arg3[%dma_wait3A_8, %dma_wait3A_9] : memref<100000x768xf32, #tpu.memory_space<hbm>> -> memref<100000x768xf32, #tpu.memory_space<hbm>>
    tpu.wait_indirect_dma semaphore(%arg8 : memref<!tpu.dma_semaphore, #tpu.memory_space<semaphore_mem>>) src(%dma_wait3A_10 : memref<100000x768xf32, #tpu.memory_space<hbm>>) dst(%arg6 : memref<64x768xf32, #tpu.memory_space<vmem>>)
    %add3A_11 = arith.constant 0 : i32
    %add3A_12 = arith.addi %mul3A_2, %add3A_11 : i32
    %dma_start3A_13 = arith.constant 0 : i32
    %dma_start3A_14 = tpu.memref_slice %arg4[%add3A_12, %dma_start3A_13] : memref<8192x768xf32, #tpu.memory_space<hbm>> -> memref<64x768xf32, #tpu.memory_space<hbm>>
    %dma_start3A_15 = arith.constant 0 : i32
    %dma_start3A_16 = tpu.memref_slice %arg4[%add3A_12, %dma_start3A_15] : memref<8192x768xf32, #tpu.memory_space<hbm>> -> memref<64x768xf32, #tpu.memory_space<hbm>>
    tpu.enqueue_dma source(%arg6 : memref<64x768xf32, #tpu.memory_space<vmem>>) target(%dma_start3A_16 : memref<64x768xf32, #tpu.memory_space<hbm>>) target_semaphore(%arg10 : memref<!tpu.dma_semaphore, #tpu.memory_space<semaphore_mem>>)
    %dma_start3A_17 = arith.constant 64 : i32
    %dma_start3A_18 = tpu.memref_slice %arg5[%dma_start3A_17] : memref<256xi32, #tpu.memory_space<vmem>> -> memref<64xi32, #tpu.memory_space<vmem>>
    %dma_start3A_19 = arith.constant 0 : i32
    %dma_start3A_20 = arith.constant 0 : i32
    %dma_start3A_21 = tpu.memref_slice %arg3[%dma_start3A_19, %dma_start3A_20] : memref<100000x768xf32, #tpu.memory_space<hbm>> -> memref<100000x768xf32, #tpu.memory_space<hbm>>
    tpu.enqueue_indirect_dma source(%dma_start3A_21 : memref<100000x768xf32, #tpu.memory_space<hbm>>) target(%arg7 : memref<64x768xf32, #tpu.memory_space<vmem>>) offsets(%dma_start3A_18 : memref<64xi32, #tpu.memory_space<vmem>>) semaphore(%arg9 : memref<!tpu.dma_semaphore, #tpu.memory_space<semaphore_mem>>)
    %dma_wait3A_22 = arith.constant 64 : i32
    %dma_wait3A_23 = tpu.memref_slice %arg5[%dma_wait3A_22] : memref<256xi32, #tpu.memory_space<vmem>> -> memref<64xi32, #tpu.memory_space<vmem>>
    %dma_wait3A_24 = arith.constant 0 : i32
    %dma_wait3A_25 = arith.constant 0 : i32
    %dma_wait3A_26 = tpu.memref_slice %arg3[%dma_wait3A_24, %dma_wait3A_25] : memref<100000x768xf32, #tpu.memory_space<hbm>> -> memref<100000x768xf32, #tpu.memory_space<hbm>>
    tpu.wait_indirect_dma semaphore(%arg9 : memref<!tpu.dma_semaphore, #tpu.memory_space<semaphore_mem>>) src(%dma_wait3A_26 : memref<100000x768xf32, #tpu.memory_space<hbm>>) dst(%arg7 : memref<64x768xf32, #tpu.memory_space<vmem>>)
    %add3A_27 = arith.constant 64 : i32
    %add3A_28 = arith.addi %mul3A_2, %add3A_27 : i32
    %dma_start3A_29 = arith.constant 0 : i32
    %dma_start3A_30 = tpu.memref_slice %arg4[%add3A_28, %dma_start3A_29] : memref<8192x768xf32, #tpu.memory_space<hbm>> -> memref<64x768xf32, #tpu.memory_space<hbm>>
    %dma_start3A_31 = arith.constant 0 : i32
    %dma_start3A_32 = tpu.memref_slice %arg4[%add3A_28, %dma_start3A_31] : memref<8192x768xf32, #tpu.memory_space<hbm>> -> memref<64x768xf32, #tpu.memory_space<hbm>>
    tpu.enqueue_dma source(%arg7 : memref<64x768xf32, #tpu.memory_space<vmem>>) target(%dma_start3A_32 : memref<64x768xf32, #tpu.memory_space<hbm>>) target_semaphore(%arg11 : memref<!tpu.dma_semaphore, #tpu.memory_space<semaphore_mem>>)
    %dma_wait3A_33 = arith.constant 0 : i32
    %dma_wait3A_34 = tpu.memref_slice %arg4[%add3A_12, %dma_wait3A_33] : memref<8192x768xf32, #tpu.memory_space<hbm>> -> memref<64x768xf32, #tpu.memory_space<hbm>>
    %dma_wait3A_35 = arith.constant 0 : i32
    %dma_wait3A_36 = tpu.memref_slice %arg4[%add3A_12, %dma_wait3A_35] : memref<8192x768xf32, #tpu.memory_space<hbm>> -> memref<64x768xf32, #tpu.memory_space<hbm>>
    tpu.wait_dma2 semaphore(%arg10 : memref<!tpu.dma_semaphore, #tpu.memory_space<semaphore_mem>>) src(%arg6 : memref<64x768xf32, #tpu.memory_space<vmem>>) dst(%dma_wait3A_36 : memref<64x768xf32, #tpu.memory_space<hbm>>)
    %dma_start3A_37 = arith.constant 128 : i32
    %dma_start3A_38 = tpu.memref_slice %arg5[%dma_start3A_37] : memref<256xi32, #tpu.memory_space<vmem>> -> memref<64xi32, #tpu.memory_space<vmem>>
    %dma_start3A_39 = arith.constant 0 : i32
    %dma_start3A_40 = arith.constant 0 : i32
    %dma_start3A_41 = tpu.memref_slice %arg3[%dma_start3A_39, %dma_start3A_40] : memref<100000x768xf32, #tpu.memory_space<hbm>> -> memref<100000x768xf32, #tpu.memory_space<hbm>>
    tpu.enqueue_indirect_dma source(%dma_start3A_41 : memref<100000x768xf32, #tpu.memory_space<hbm>>) target(%arg6 : memref<64x768xf32, #tpu.memory_space<vmem>>) offsets(%dma_start3A_38 : memref<64xi32, #tpu.memory_space<vmem>>) semaphore(%arg8 : memref<!tpu.dma_semaphore, #tpu.memory_space<semaphore_mem>>)
    %dma_wait3A_42 = arith.constant 128 : i32
    %dma_wait3A_43 = tpu.memref_slice %arg5[%dma_wait3A_42] : memref<256xi32, #tpu.memory_space<vmem>> -> memref<64xi32, #tpu.memory_space<vmem>>
    %dma_wait3A_44 = arith.constant 0 : i32
    %dma_wait3A_45 = arith.constant 0 : i32
    %dma_wait3A_46 = tpu.memref_slice %arg3[%dma_wait3A_44, %dma_wait3A_45] : memref<100000x768xf32, #tpu.memory_space<hbm>> -> memref<100000x768xf32, #tpu.memory_space<hbm>>
    tpu.wait_indirect_dma semaphore(%arg8 : memref<!tpu.dma_semaphore, #tpu.memory_space<semaphore_mem>>) src(%dma_wait3A_46 : memref<100000x768xf32, #tpu.memory_space<hbm>>) dst(%arg6 : memref<64x768xf32, #tpu.memory_space<vmem>>)
    %add3A_47 = arith.constant 128 : i32
    %add3A_48 = arith.addi %mul3A_2, %add3A_47 : i32
    %dma_start3A_49 = arith.constant 0 : i32
    %dma_start3A_50 = tpu.memref_slice %arg4[%add3A_48, %dma_start3A_49] : memref<8192x768xf32, #tpu.memory_space<hbm>> -> memref<64x768xf32, #tpu.memory_space<hbm>>
    %dma_start3A_51 = arith.constant 0 : i32
    %dma_start3A_52 = tpu.memref_slice %arg4[%add3A_48, %dma_start3A_51] : memref<8192x768xf32, #tpu.memory_space<hbm>> -> memref<64x768xf32, #tpu.memory_space<hbm>>
    tpu.enqueue_dma source(%arg6 : memref<64x768xf32, #tpu.memory_space<vmem>>) target(%dma_start3A_52 : memref<64x768xf32, #tpu.memory_space<hbm>>) target_semaphore(%arg10 : memref<!tpu.dma_semaphore, #tpu.memory_space<semaphore_mem>>)
    %dma_wait3A_53 = arith.constant 0 : i32
    %dma_wait3A_54 = tpu.memref_slice %arg4[%add3A_28, %dma_wait3A_53] : memref<8192x768xf32, #tpu.memory_space<hbm>> -> memref<64x768xf32, #tpu.memory_space<hbm>>
    %dma_wait3A_55 = arith.constant 0 : i32
    %dma_wait3A_56 = tpu.memref_slice %arg4[%add3A_28, %dma_wait3A_55] : memref<8192x768xf32, #tpu.memory_space<hbm>> -> memref<64x768xf32, #tpu.memory_space<hbm>>
    tpu.wait_dma2 semaphore(%arg11 : memref<!tpu.dma_semaphore, #tpu.memory_space<semaphore_mem>>) src(%arg7 : memref<64x768xf32, #tpu.memory_space<vmem>>) dst(%dma_wait3A_56 : memref<64x768xf32, #tpu.memory_space<hbm>>)
    %dma_start3A_57 = arith.constant 192 : i32
    %dma_start3A_58 = tpu.memref_slice %arg5[%dma_start3A_57] : memref<256xi32, #tpu.memory_space<vmem>> -> memref<64xi32, #tpu.memory_space<vmem>>
    %dma_start3A_59 = arith.constant 0 : i32
    %dma_start3A_60 = arith.constant 0 : i32
    %dma_start3A_61 = tpu.memref_slice %arg3[%dma_start3A_59, %dma_start3A_60] : memref<100000x768xf32, #tpu.memory_space<hbm>> -> memref<100000x768xf32, #tpu.memory_space<hbm>>
    tpu.enqueue_indirect_dma source(%dma_start3A_61 : memref<100000x768xf32, #tpu.memory_space<hbm>>) target(%arg7 : memref<64x768xf32, #tpu.memory_space<vmem>>) offsets(%dma_start3A_58 : memref<64xi32, #tpu.memory_space<vmem>>) semaphore(%arg9 : memref<!tpu.dma_semaphore, #tpu.memory_space<semaphore_mem>>)
    %dma_wait3A_62 = arith.constant 192 : i32
    %dma_wait3A_63 = tpu.memref_slice %arg5[%dma_wait3A_62] : memref<256xi32, #tpu.memory_space<vmem>> -> memref<64xi32, #tpu.memory_space<vmem>>
    %dma_wait3A_64 = arith.constant 0 : i32
    %dma_wait3A_65 = arith.constant 0 : i32
    %dma_wait3A_66 = tpu.memref_slice %arg3[%dma_wait3A_64, %dma_wait3A_65] : memref<100000x768xf32, #tpu.memory_space<hbm>> -> memref<100000x768xf32, #tpu.memory_space<hbm>>
    tpu.wait_indirect_dma semaphore(%arg9 : memref<!tpu.dma_semaphore, #tpu.memory_space<semaphore_mem>>) src(%dma_wait3A_66 : memref<100000x768xf32, #tpu.memory_space<hbm>>) dst(%arg7 : memref<64x768xf32, #tpu.memory_space<vmem>>)
    %add3A_67 = arith.constant 192 : i32
    %add3A_68 = arith.addi %mul3A_2, %add3A_67 : i32
    %dma_start3A_69 = arith.constant 0 : i32
    %dma_start3A_70 = tpu.memref_slice %arg4[%add3A_68, %dma_start3A_69] : memref<8192x768xf32, #tpu.memory_space<hbm>> -> memref<64x768xf32, #tpu.memory_space<hbm>>
    %dma_start3A_71 = arith.constant 0 : i32
    %dma_start3A_72 = tpu.memref_slice %arg4[%add3A_68, %dma_start3A_71] : memref<8192x768xf32, #tpu.memory_space<hbm>> -> memref<64x768xf32, #tpu.memory_space<hbm>>
    tpu.enqueue_dma source(%arg7 : memref<64x768xf32, #tpu.memory_space<vmem>>) target(%dma_start3A_72 : memref<64x768xf32, #tpu.memory_space<hbm>>) target_semaphore(%arg11 : memref<!tpu.dma_semaphore, #tpu.memory_space<semaphore_mem>>)
    %dma_wait3A_73 = arith.constant 0 : i32
    %dma_wait3A_74 = tpu.memref_slice %arg4[%add3A_48, %dma_wait3A_73] : memref<8192x768xf32, #tpu.memory_space<hbm>> -> memref<64x768xf32, #tpu.memory_space<hbm>>
    %dma_wait3A_75 = arith.constant 0 : i32
    %dma_wait3A_76 = tpu.memref_slice %arg4[%add3A_48, %dma_wait3A_75] : memref<8192x768xf32, #tpu.memory_space<hbm>> -> memref<64x768xf32, #tpu.memory_space<hbm>>
    tpu.wait_dma2 semaphore(%arg10 : memref<!tpu.dma_semaphore, #tpu.memory_space<semaphore_mem>>) src(%arg6 : memref<64x768xf32, #tpu.memory_space<vmem>>) dst(%dma_wait3A_76 : memref<64x768xf32, #tpu.memory_space<hbm>>)
    %dma_wait3A_77 = arith.constant 0 : i32
    %dma_wait3A_78 = tpu.memref_slice %arg4[%add3A_68, %dma_wait3A_77] : memref<8192x768xf32, #tpu.memory_space<hbm>> -> memref<64x768xf32, #tpu.memory_space<hbm>>
    %dma_wait3A_79 = arith.constant 0 : i32
    %dma_wait3A_80 = tpu.memref_slice %arg4[%add3A_68, %dma_wait3A_79] : memref<8192x768xf32, #tpu.memory_space<hbm>> -> memref<64x768xf32, #tpu.memory_space<hbm>>
    tpu.wait_dma2 semaphore(%arg11 : memref<!tpu.dma_semaphore, #tpu.memory_space<semaphore_mem>>) src(%arg7 : memref<64x768xf32, #tpu.memory_space<vmem>>) dst(%dma_wait3A_80 : memref<64x768xf32, #tpu.memory_space<hbm>>)
    return
  }
}

#map = affine_map<(d0, d1) -> (0)>
#map1 = affine_map<(d0, d1) -> (0, 0)>
module attributes {stable_mosaic.version = 14 : i64} {
  func.func @k(%arg0: i32, %arg1: i32, %arg2: memref<8192xi32, #tpu.memory_space<hbm>>, %arg3: memref<100000x768xf32, #tpu.memory_space<hbm>>, %arg4: memref<8192x768xf32, #tpu.memory_space<hbm>>, %arg5: memref<256xi32, #tpu.memory_space<vmem>>, %arg6: memref<64x768xf32, #tpu.memory_space<vmem>>, %arg7: memref<64x768xf32, #tpu.memory_space<vmem>>, %arg8: memref<!tpu.dma_semaphore, #tpu.memory_space<semaphore_mem>>, %arg9: memref<!tpu.dma_semaphore, #tpu.memory_space<semaphore_mem>>, %arg10: memref<!tpu.dma_semaphore, #tpu.memory_space<semaphore_mem>>, %arg11: memref<!tpu.dma_semaphore, #tpu.memory_space<semaphore_mem>>) attributes {dimension_semantics = [#tpu.dimension_semantics<core_parallel>, #tpu.dimension_semantics<subcore_parallel>], iteration_bounds = array<i64: 2, 16>, scalar_prefetch = 0 : i64, scratch_operands = 7 : i64, tpu.core_type = #tpu.core_type<sc_vector_subcore>, window_params = [{transform_indices = #map}, {transform_indices = #map1}, {transform_indices = #map1}]} {
    %mul3A = arith.constant 2 : i32
    %mul3A_0 = arith.muli %arg1, %mul3A : i32
    %add3A = arith.addi %mul3A_0, %arg0 : i32
    %mul3A_1 = arith.constant 256 : i32
    %mul3A_2 = arith.muli %add3A, %mul3A_1 : i32
    "tpu.region"() ({
      %run_scoped3A = tpu.sem_alloc : memref<!tpu.dma_semaphore, #tpu.memory_space<semaphore_mem>>
      %dma_start3A_81 = tpu.memref_slice %arg2[%mul3A_2] : memref<8192xi32, #tpu.memory_space<hbm>> -> memref<256xi32, #tpu.memory_space<hbm>>
      %dma_start3A_82 = tpu.memref_slice %arg2[%mul3A_2] : memref<8192xi32, #tpu.memory_space<hbm>> -> memref<256xi32, #tpu.memory_space<hbm>>
      tpu.enqueue_dma source(%dma_start3A_82 : memref<256xi32, #tpu.memory_space<hbm>>) target(%arg5 : memref<256xi32, #tpu.memory_space<vmem>>) target_semaphore(%run_scoped3A : memref<!tpu.dma_semaphore, #tpu.memory_space<semaphore_mem>>)
      %dma_wait3A_83 = tpu.memref_slice %arg2[%mul3A_2] : memref<8192xi32, #tpu.memory_space<hbm>> -> memref<256xi32, #tpu.memory_space<hbm>>
      %dma_wait3A_84 = tpu.memref_slice %arg2[%mul3A_2] : memref<8192xi32, #tpu.memory_space<hbm>> -> memref<256xi32, #tpu.memory_space<hbm>>
      tpu.wait_dma2 semaphore(%run_scoped3A : memref<!tpu.dma_semaphore, #tpu.memory_space<semaphore_mem>>) src(%dma_wait3A_84 : memref<256xi32, #tpu.memory_space<hbm>>) dst(%arg5 : memref<256xi32, #tpu.memory_space<vmem>>)
      tpu.yield
    }) : () -> ()
    %dma_start3A = arith.constant 0 : i32
    %dma_start3A_3 = tpu.memref_slice %arg5[%dma_start3A] : memref<256xi32, #tpu.memory_space<vmem>> -> memref<64xi32, #tpu.memory_space<vmem>>
    %dma_start3A_4 = arith.constant 0 : i32
    %dma_start3A_5 = arith.constant 0 : i32
    %dma_start3A_6 = tpu.memref_slice %arg3[%dma_start3A_4, %dma_start3A_5] : memref<100000x768xf32, #tpu.memory_space<hbm>> -> memref<100000x768xf32, #tpu.memory_space<hbm>>
    tpu.enqueue_indirect_dma source(%dma_start3A_6 : memref<100000x768xf32, #tpu.memory_space<hbm>>) target(%arg6 : memref<64x768xf32, #tpu.memory_space<vmem>>) offsets(%dma_start3A_3 : memref<64xi32, #tpu.memory_space<vmem>>) semaphore(%arg8 : memref<!tpu.dma_semaphore, #tpu.memory_space<semaphore_mem>>)
    %dma_wait3A = arith.constant 0 : i32
    %dma_wait3A_7 = tpu.memref_slice %arg5[%dma_wait3A] : memref<256xi32, #tpu.memory_space<vmem>> -> memref<64xi32, #tpu.memory_space<vmem>>
    %dma_wait3A_8 = arith.constant 0 : i32
    %dma_wait3A_9 = arith.constant 0 : i32
    %dma_wait3A_10 = tpu.memref_slice %arg3[%dma_wait3A_8, %dma_wait3A_9] : memref<100000x768xf32, #tpu.memory_space<hbm>> -> memref<100000x768xf32, #tpu.memory_space<hbm>>
    tpu.wait_indirect_dma semaphore(%arg8 : memref<!tpu.dma_semaphore, #tpu.memory_space<semaphore_mem>>) src(%dma_wait3A_10 : memref<100000x768xf32, #tpu.memory_space<hbm>>) dst(%arg6 : memref<64x768xf32, #tpu.memory_space<vmem>>)
    %add3A_11 = arith.constant 0 : i32
    %add3A_12 = arith.addi %mul3A_2, %add3A_11 : i32
    %dma_start3A_13 = arith.constant 0 : i32
    %dma_start3A_14 = tpu.memref_slice %arg4[%add3A_12, %dma_start3A_13] : memref<8192x768xf32, #tpu.memory_space<hbm>> -> memref<64x768xf32, #tpu.memory_space<hbm>>
    %dma_start3A_15 = arith.constant 0 : i32
    %dma_start3A_16 = tpu.memref_slice %arg4[%add3A_12, %dma_start3A_15] : memref<8192x768xf32, #tpu.memory_space<hbm>> -> memref<64x768xf32, #tpu.memory_space<hbm>>
    tpu.enqueue_dma source(%arg6 : memref<64x768xf32, #tpu.memory_space<vmem>>) target(%dma_start3A_16 : memref<64x768xf32, #tpu.memory_space<hbm>>) target_semaphore(%arg10 : memref<!tpu.dma_semaphore, #tpu.memory_space<semaphore_mem>>)
    %dma_start3A_17 = arith.constant 64 : i32
    %dma_start3A_18 = tpu.memref_slice %arg5[%dma_start3A_17] : memref<256xi32, #tpu.memory_space<vmem>> -> memref<64xi32, #tpu.memory_space<vmem>>
    %dma_start3A_19 = arith.constant 0 : i32
    %dma_start3A_20 = arith.constant 0 : i32
    %dma_start3A_21 = tpu.memref_slice %arg3[%dma_start3A_19, %dma_start3A_20] : memref<100000x768xf32, #tpu.memory_space<hbm>> -> memref<100000x768xf32, #tpu.memory_space<hbm>>
    tpu.enqueue_indirect_dma source(%dma_start3A_21 : memref<100000x768xf32, #tpu.memory_space<hbm>>) target(%arg7 : memref<64x768xf32, #tpu.memory_space<vmem>>) offsets(%dma_start3A_18 : memref<64xi32, #tpu.memory_space<vmem>>) semaphore(%arg9 : memref<!tpu.dma_semaphore, #tpu.memory_space<semaphore_mem>>)
    %dma_wait3A_22 = arith.constant 64 : i32
    %dma_wait3A_23 = tpu.memref_slice %arg5[%dma_wait3A_22] : memref<256xi32, #tpu.memory_space<vmem>> -> memref<64xi32, #tpu.memory_space<vmem>>
    %dma_wait3A_24 = arith.constant 0 : i32
    %dma_wait3A_25 = arith.constant 0 : i32
    %dma_wait3A_26 = tpu.memref_slice %arg3[%dma_wait3A_24, %dma_wait3A_25] : memref<100000x768xf32, #tpu.memory_space<hbm>> -> memref<100000x768xf32, #tpu.memory_space<hbm>>
    tpu.wait_indirect_dma semaphore(%arg9 : memref<!tpu.dma_semaphore, #tpu.memory_space<semaphore_mem>>) src(%dma_wait3A_26 : memref<100000x768xf32, #tpu.memory_space<hbm>>) dst(%arg7 : memref<64x768xf32, #tpu.memory_space<vmem>>)
    %add3A_27 = arith.constant 64 : i32
    %add3A_28 = arith.addi %mul3A_2, %add3A_27 : i32
    %dma_start3A_29 = arith.constant 0 : i32
    %dma_start3A_30 = tpu.memref_slice %arg4[%add3A_28, %dma_start3A_29] : memref<8192x768xf32, #tpu.memory_space<hbm>> -> memref<64x768xf32, #tpu.memory_space<hbm>>
    %dma_start3A_31 = arith.constant 0 : i32
    %dma_start3A_32 = tpu.memref_slice %arg4[%add3A_28, %dma_start3A_31] : memref<8192x768xf32, #tpu.memory_space<hbm>> -> memref<64x768xf32, #tpu.memory_space<hbm>>
    tpu.enqueue_dma source(%arg7 : memref<64x768xf32, #tpu.memory_space<vmem>>) target(%dma_start3A_32 : memref<64x768xf32, #tpu.memory_space<hbm>>) target_semaphore(%arg11 : memref<!tpu.dma_semaphore, #tpu.memory_space<semaphore_mem>>)
    %dma_wait3A_33 = arith.constant 0 : i32
    %dma_wait3A_34 = tpu.memref_slice %arg4[%add3A_12, %dma_wait3A_33] : memref<8192x768xf32, #tpu.memory_space<hbm>> -> memref<64x768xf32, #tpu.memory_space<hbm>>
    %dma_wait3A_35 = arith.constant 0 : i32
    %dma_wait3A_36 = tpu.memref_slice %arg4[%add3A_12, %dma_wait3A_35] : memref<8192x768xf32, #tpu.memory_space<hbm>> -> memref<64x768xf32, #tpu.memory_space<hbm>>
    tpu.wait_dma2 semaphore(%arg10 : memref<!tpu.dma_semaphore, #tpu.memory_space<semaphore_mem>>) src(%arg6 : memref<64x768xf32, #tpu.memory_space<vmem>>) dst(%dma_wait3A_36 : memref<64x768xf32, #tpu.memory_space<hbm>>)
    %dma_start3A_37 = arith.constant 128 : i32
    %dma_start3A_38 = tpu.memref_slice %arg5[%dma_start3A_37] : memref<256xi32, #tpu.memory_space<vmem>> -> memref<64xi32, #tpu.memory_space<vmem>>
    %dma_start3A_39 = arith.constant 0 : i32
    %dma_start3A_40 = arith.constant 0 : i32
    %dma_start3A_41 = tpu.memref_slice %arg3[%dma_start3A_39, %dma_start3A_40] : memref<100000x768xf32, #tpu.memory_space<hbm>> -> memref<100000x768xf32, #tpu.memory_space<hbm>>
    tpu.enqueue_indirect_dma source(%dma_start3A_41 : memref<100000x768xf32, #tpu.memory_space<hbm>>) target(%arg6 : memref<64x768xf32, #tpu.memory_space<vmem>>) offsets(%dma_start3A_38 : memref<64xi32, #tpu.memory_space<vmem>>) semaphore(%arg8 : memref<!tpu.dma_semaphore, #tpu.memory_space<semaphore_mem>>)
    %dma_wait3A_42 = arith.constant 128 : i32
    %dma_wait3A_43 = tpu.memref_slice %arg5[%dma_wait3A_42] : memref<256xi32, #tpu.memory_space<vmem>> -> memref<64xi32, #tpu.memory_space<vmem>>
    %dma_wait3A_44 = arith.constant 0 : i32
    %dma_wait3A_45 = arith.constant 0 : i32
    %dma_wait3A_46 = tpu.memref_slice %arg3[%dma_wait3A_44, %dma_wait3A_45] : memref<100000x768xf32, #tpu.memory_space<hbm>> -> memref<100000x768xf32, #tpu.memory_space<hbm>>
    tpu.wait_indirect_dma semaphore(%arg8 : memref<!tpu.dma_semaphore, #tpu.memory_space<semaphore_mem>>) src(%dma_wait3A_46 : memref<100000x768xf32, #tpu.memory_space<hbm>>) dst(%arg6 : memref<64x768xf32, #tpu.memory_space<vmem>>)
    %add3A_47 = arith.constant 128 : i32
    %add3A_48 = arith.addi %mul3A_2, %add3A_47 : i32
    %dma_start3A_49 = arith.constant 0 : i32
    %dma_start3A_50 = tpu.memref_slice %arg4[%add3A_48, %dma_start3A_49] : memref<8192x768xf32, #tpu.memory_space<hbm>> -> memref<64x768xf32, #tpu.memory_space<hbm>>
    %dma_start3A_51 = arith.constant 0 : i32
    %dma_start3A_52 = tpu.memref_slice %arg4[%add3A_48, %dma_start3A_51] : memref<8192x768xf32, #tpu.memory_space<hbm>> -> memref<64x768xf32, #tpu.memory_space<hbm>>
    tpu.enqueue_dma source(%arg6 : memref<64x768xf32, #tpu.memory_space<vmem>>) target(%dma_start3A_52 : memref<64x768xf32, #tpu.memory_space<hbm>>) target_semaphore(%arg10 : memref<!tpu.dma_semaphore, #tpu.memory_space<semaphore_mem>>)
    %dma_wait3A_53 = arith.constant 0 : i32
    %dma_wait3A_54 = tpu.memref_slice %arg4[%add3A_28, %dma_wait3A_53] : memref<8192x768xf32, #tpu.memory_space<hbm>> -> memref<64x768xf32, #tpu.memory_space<hbm>>
    %dma_wait3A_55 = arith.constant 0 : i32
    %dma_wait3A_56 = tpu.memref_slice %arg4[%add3A_28, %dma_wait3A_55] : memref<8192x768xf32, #tpu.memory_space<hbm>> -> memref<64x768xf32, #tpu.memory_space<hbm>>
    tpu.wait_dma2 semaphore(%arg11 : memref<!tpu.dma_semaphore, #tpu.memory_space<semaphore_mem>>) src(%arg7 : memref<64x768xf32, #tpu.memory_space<vmem>>) dst(%dma_wait3A_56 : memref<64x768xf32, #tpu.memory_space<hbm>>)
    %dma_start3A_57 = arith.constant 192 : i32
    %dma_start3A_58 = tpu.memref_slice %arg5[%dma_start3A_57] : memref<256xi32, #tpu.memory_space<vmem>> -> memref<64xi32, #tpu.memory_space<vmem>>
    %dma_start3A_59 = arith.constant 0 : i32
    %dma_start3A_60 = arith.constant 0 : i32
    %dma_start3A_61 = tpu.memref_slice %arg3[%dma_start3A_59, %dma_start3A_60] : memref<100000x768xf32, #tpu.memory_space<hbm>> -> memref<100000x768xf32, #tpu.memory_space<hbm>>
    tpu.enqueue_indirect_dma source(%dma_start3A_61 : memref<100000x768xf32, #tpu.memory_space<hbm>>) target(%arg7 : memref<64x768xf32, #tpu.memory_space<vmem>>) offsets(%dma_start3A_58 : memref<64xi32, #tpu.memory_space<vmem>>) semaphore(%arg9 : memref<!tpu.dma_semaphore, #tpu.memory_space<semaphore_mem>>)
    %dma_wait3A_62 = arith.constant 192 : i32
    %dma_wait3A_63 = tpu.memref_slice %arg5[%dma_wait3A_62] : memref<256xi32, #tpu.memory_space<vmem>> -> memref<64xi32, #tpu.memory_space<vmem>>
    %dma_wait3A_64 = arith.constant 0 : i32
    %dma_wait3A_65 = arith.constant 0 : i32
    %dma_wait3A_66 = tpu.memref_slice %arg3[%dma_wait3A_64, %dma_wait3A_65] : memref<100000x768xf32, #tpu.memory_space<hbm>> -> memref<100000x768xf32, #tpu.memory_space<hbm>>
    tpu.wait_indirect_dma semaphore(%arg9 : memref<!tpu.dma_semaphore, #tpu.memory_space<semaphore_mem>>) src(%dma_wait3A_66 : memref<100000x768xf32, #tpu.memory_space<hbm>>) dst(%arg7 : memref<64x768xf32, #tpu.memory_space<vmem>>)
    %add3A_67 = arith.constant 192 : i32
    %add3A_68 = arith.addi %mul3A_2, %add3A_67 : i32
    %dma_start3A_69 = arith.constant 0 : i32
    %dma_start3A_70 = tpu.memref_slice %arg4[%add3A_68, %dma_start3A_69] : memref<8192x768xf32, #tpu.memory_space<hbm>> -> memref<64x768xf32, #tpu.memory_space<hbm>>
    %dma_start3A_71 = arith.constant 0 : i32
    %dma_start3A_72 = tpu.memref_slice %arg4[%add3A_68, %dma_start3A_71] : memref<8192x768xf32, #tpu.memory_space<hbm>> -> memref<64x768xf32, #tpu.memory_space<hbm>>
    tpu.enqueue_dma source(%arg7 : memref<64x768xf32, #tpu.memory_space<vmem>>) target(%dma_start3A_72 : memref<64x768xf32, #tpu.memory_space<hbm>>) target_semaphore(%arg11 : memref<!tpu.dma_semaphore, #tpu.memory_space<semaphore_mem>>)
    %dma_wait3A_73 = arith.constant 0 : i32
    %dma_wait3A_74 = tpu.memref_slice %arg4[%add3A_48, %dma_wait3A_73] : memref<8192x768xf32, #tpu.memory_space<hbm>> -> memref<64x768xf32, #tpu.memory_space<hbm>>
    %dma_wait3A_75 = arith.constant 0 : i32
    %dma_wait3A_76 = tpu.memref_slice %arg4[%add3A_48, %dma_wait3A_75] : memref<8192x768xf32, #tpu.memory_space<hbm>> -> memref<64x768xf32, #tpu.memory_space<hbm>>
    tpu.wait_dma2 semaphore(%arg10 : memref<!tpu.dma_semaphore, #tpu.memory_space<semaphore_mem>>) src(%arg6 : memref<64x768xf32, #tpu.memory_space<vmem>>) dst(%dma_wait3A_76 : memref<64x768xf32, #tpu.memory_space<hbm>>)
    %dma_wait3A_77 = arith.constant 0 : i32
    %dma_wait3A_78 = tpu.memref_slice %arg4[%add3A_68, %dma_wait3A_77] : memref<8192x768xf32, #tpu.memory_space<hbm>> -> memref<64x768xf32, #tpu.memory_space<hbm>>
    %dma_wait3A_79 = arith.constant 0 : i32
    %dma_wait3A_80 = tpu.memref_slice %arg4[%add3A_68, %dma_wait3A_79] : memref<8192x768xf32, #tpu.memory_space<hbm>> -> memref<64x768xf32, #tpu.memory_space<hbm>>
    tpu.wait_dma2 semaphore(%arg11 : memref<!tpu.dma_semaphore, #tpu.memory_space<semaphore_mem>>) src(%arg7 : memref<64x768xf32, #tpu.memory_space<vmem>>) dst(%dma_wait3A_80 : memref<64x768xf32, #tpu.memory_space<hbm>>)
    return
  }
}

module attributes {stable_mosaic.version = 14 : i64} {
  func.func @body(%arg0: i32, %arg1: memref<1024x768xf32, #tpu.memory_space<vmem>>, %arg2: memref<1024x1xi32, #tpu.memory_space<vmem>>, %arg3: memref<1024x1xi32, #tpu.memory_space<vmem>>, %arg4: memref<1000x64xf32, #tpu.memory_space<vmem>>, %arg5: memref<1000x64xf32, #tpu.memory_space<vmem>>, %arg6: memref<768x64xf32, #tpu.memory_space<vmem>>, %arg7: memref<1x64xf32, #tpu.memory_space<vmem>>, %arg8: memref<64x2xf32, #tpu.memory_space<vmem>>, %arg9: memref<1x2xf32, #tpu.memory_space<vmem>>, %arg10: memref<1024x2xf32, #tpu.memory_space<vmem>>) attributes {dimension_semantics = [#tpu.dimension_semantics<arbitrary>], iteration_bounds = array<i64: 8>, scalar_prefetch = 0 : i64, scratch_operands = 0 : i64, tpu.core_type = #tpu.core_type<tc>, window_params = [{transform_indices = @transform_0, window_bounds = array<i64: 1024, 768>}, {transform_indices = @transform_1, window_bounds = array<i64: 1024, 1>}, {transform_indices = @transform_2, window_bounds = array<i64: 1024, 1>}, {pipeline_mode = #tpu.pipeline_mode<synchronous>, transform_indices = @transform_3, window_bounds = array<i64: 1000, 64>}, {pipeline_mode = #tpu.pipeline_mode<synchronous>, transform_indices = @transform_4, window_bounds = array<i64: 1000, 64>}, {pipeline_mode = #tpu.pipeline_mode<synchronous>, transform_indices = @transform_5, window_bounds = array<i64: 768, 64>}, {pipeline_mode = #tpu.pipeline_mode<synchronous>, transform_indices = @transform_6, window_bounds = array<i64: 1, 64>}, {pipeline_mode = #tpu.pipeline_mode<synchronous>, transform_indices = @transform_7, window_bounds = array<i64: 64, 2>}, {pipeline_mode = #tpu.pipeline_mode<synchronous>, transform_indices = @transform_8, window_bounds = array<i64: 1, 2>}, {transform_indices = @transform_9, window_bounds = array<i64: 1024, 2>}]} {
    %get3A = arith.constant 0 : index
    %get3A_0 = arith.constant 0 : index
    %get3A_1 = vector.load %arg1[%get3A, %get3A_0] : memref<1024x768xf32, #tpu.memory_space<vmem>>, vector<1024x768xf32>
    %get3A_2 = arith.constant 0 : index
    %get3A_3 = arith.constant 0 : index
    %get3A_4 = vector.load %arg6[%get3A_2, %get3A_3] : memref<768x64xf32, #tpu.memory_space<vmem>>, vector<768x64xf32>
    %dot_general3A = arith.constant dense<0.000000e+00> : vector<1024x64xf32>
    %dot_general3A_5 = tpu.matmul %get3A_1, %get3A_4, %dot_general3A {dimension_numbers = #tpu.dot_dimension_numbers<[1], [0], [0], [1], [0, 0, 1, 1], [], []>, transpose_lhs_hint = false} : vector<1024x768xf32>, vector<768x64xf32>, vector<1024x64xf32> -> vector<1024x64xf32>
    %get3A_6 = arith.constant 0 : index
    %get3A_7 = arith.constant 0 : index
    %get3A_8 = vector.load %arg7[%get3A_6, %get3A_7] : memref<1x64xf32, #tpu.memory_space<vmem>>, vector<1x64xf32>
    %add3A = vector.broadcast %get3A_8 : vector<1x64xf32> to vector<1024x64xf32>
    %add3A_9 = arith.addf %dot_general3A_5, %add3A : vector<1024x64xf32>
    %iota3A = tpu.iota {dimensions = array<i32: 1>} : vector<1024x1000xi32>
    %get3A_10 = arith.constant 0 : index
    %get3A_11 = arith.constant 0 : index
    %get3A_12 = vector.load %arg2[%get3A_10, %get3A_11] : memref<1024x1xi32, #tpu.memory_space<vmem>>, vector<1024x1xi32>
    %eq3A = vector.broadcast %get3A_12 : vector<1024x1xi32> to vector<1024x1000xi32>
    %eq3A_13 = arith.cmpi eq, %eq3A, %iota3A : vector<1024x1000xi32>
    %convert_element_type3A = arith.extui %eq3A_13 : vector<1024x1000xi1> to vector<1024x1000xi32>
    %convert_element_type3A_14 = arith.sitofp %convert_element_type3A : vector<1024x1000xi32> to vector<1024x1000xf32>
    %get3A_15 = arith.constant 0 : index
    %get3A_16 = arith.constant 0 : index
    %get3A_17 = vector.load %arg3[%get3A_15, %get3A_16] : memref<1024x1xi32, #tpu.memory_space<vmem>>, vector<1024x1xi32>
    %eq3A_18 = vector.broadcast %get3A_17 : vector<1024x1xi32> to vector<1024x1000xi32>
    %eq3A_19 = arith.cmpi eq, %eq3A_18, %iota3A : vector<1024x1000xi32>
    %convert_element_type3A_20 = arith.extui %eq3A_19 : vector<1024x1000xi1> to vector<1024x1000xi32>
    %convert_element_type3A_21 = arith.sitofp %convert_element_type3A_20 : vector<1024x1000xi32> to vector<1024x1000xf32>
    %get3A_22 = arith.constant 0 : index
    %get3A_23 = arith.constant 0 : index
    %get3A_24 = vector.load %arg4[%get3A_22, %get3A_23] : memref<1000x64xf32, #tpu.memory_space<vmem>>, vector<1000x64xf32>
    %dot_general3A_25 = arith.constant dense<0.000000e+00> : vector<1024x64xf32>
    %dot_general3A_26 = tpu.matmul %convert_element_type3A_14, %get3A_24, %dot_general3A_25 {dimension_numbers = #tpu.dot_dimension_numbers<[1], [0], [0], [1], [0, 0, 1, 1], [], []>, transpose_lhs_hint = false} : vector<1024x1000xf32>, vector<1000x64xf32>, vector<1024x64xf32> -> vector<1024x64xf32>
    %get3A_27 = arith.constant 0 : index
    %get3A_28 = arith.constant 0 : index
    %get3A_29 = vector.load %arg5[%get3A_27, %get3A_28] : memref<1000x64xf32, #tpu.memory_space<vmem>>, vector<1000x64xf32>
    %dot_general3A_30 = arith.constant dense<0.000000e+00> : vector<1024x64xf32>
    %dot_general3A_31 = tpu.matmul %convert_element_type3A_21, %get3A_29, %dot_general3A_30 {dimension_numbers = #tpu.dot_dimension_numbers<[1], [0], [0], [1], [0, 0, 1, 1], [], []>, transpose_lhs_hint = false} : vector<1024x1000xf32>, vector<1000x64xf32>, vector<1024x64xf32> -> vector<1024x64xf32>
    %add3A_32 = arith.addf %dot_general3A_26, %dot_general3A_31 : vector<1024x64xf32>
    %mul3A = arith.mulf %add3A_9, %add3A_32 : vector<1024x64xf32>
    %mul3A_33 = arith.mulf %dot_general3A_26, %dot_general3A_31 : vector<1024x64xf32>
    %add3A_34 = arith.addf %mul3A, %mul3A_33 : vector<1024x64xf32>
    %get3A_35 = arith.constant 0 : index
    %get3A_36 = arith.constant 0 : index
    %get3A_37 = vector.load %arg8[%get3A_35, %get3A_36] : memref<64x2xf32, #tpu.memory_space<vmem>>, vector<64x2xf32>
    %dot_general3A_38 = arith.constant dense<0.000000e+00> : vector<1024x2xf32>
    %dot_general3A_39 = tpu.matmul %add3A_34, %get3A_37, %dot_general3A_38 {dimension_numbers = #tpu.dot_dimension_numbers<[1], [0], [0], [1], [0, 0, 1, 1], [], []>, transpose_lhs_hint = false} : vector<1024x64xf32>, vector<64x2xf32>, vector<1024x2xf32> -> vector<1024x2xf32>
    %get3A_40 = arith.constant 0 : index
    %get3A_41 = arith.constant 0 : index
    %get3A_42 = vector.load %arg9[%get3A_40, %get3A_41] : memref<1x2xf32, #tpu.memory_space<vmem>>, vector<1x2xf32>
    %add3A_43 = vector.broadcast %get3A_42 : vector<1x2xf32> to vector<1024x2xf32>
    %add3A_44 = arith.addf %dot_general3A_39, %add3A_43 : vector<1024x2xf32>
    %swap3A = arith.constant 0 : index
    %swap3A_45 = arith.constant 0 : index
    %swap3A_46 = vector.load %arg10[%swap3A, %swap3A_45] : memref<1024x2xf32, #tpu.memory_space<vmem>>, vector<1024x2xf32>
    tpu.vector_store %arg10[%swap3A, %swap3A_45], %add3A_44 {strides = array<i32>} : memref<1024x2xf32, #tpu.memory_space<vmem>>, vector<1024x2xf32>,
    return
  }
  func.func @transform_0(%arg0: i32) -> (i32, i32) {
    %c0_i32 = arith.constant 0 : i32
    %c0_i32_0 = arith.constant 0 : i32
    return %arg0, %c0_i32 : i32, i32
  }
  func.func @transform_1(%arg0: i32) -> (i32, i32) {
    %c0_i32 = arith.constant 0 : i32
    %c0_i32_0 = arith.constant 0 : i32
    return %arg0, %c0_i32 : i32, i32
  }
  func.func @transform_2(%arg0: i32) -> (i32, i32) {
    %c0_i32 = arith.constant 0 : i32
    %c0_i32_0 = arith.constant 0 : i32
    return %arg0, %c0_i32 : i32, i32
  }
  func.func @transform_3(%arg0: i32) -> (i32, i32) {
    %c0_i32 = arith.constant 0 : i32
    %c0_i32_0 = arith.constant 0 : i32
    %c0_i32_1 = arith.constant 0 : i32
    return %c0_i32, %c0_i32_0 : i32, i32
  }
  func.func @transform_4(%arg0: i32) -> (i32, i32) {
    %c0_i32 = arith.constant 0 : i32
    %c0_i32_0 = arith.constant 0 : i32
    %c0_i32_1 = arith.constant 0 : i32
    return %c0_i32, %c0_i32_0 : i32, i32
  }
  func.func @transform_5(%arg0: i32) -> (i32, i32) {
    %c0_i32 = arith.constant 0 : i32
    %c0_i32_0 = arith.constant 0 : i32
    %c0_i32_1 = arith.constant 0 : i32
    return %c0_i32, %c0_i32_0 : i32, i32
  }
  func.func @transform_6(%arg0: i32) -> (i32, i32) {
    %c0_i32 = arith.constant 0 : i32
    %c0_i32_0 = arith.constant 0 : i32
    %c0_i32_1 = arith.constant 0 : i32
    return %c0_i32, %c0_i32_0 : i32, i32
  }
  func.func @transform_7(%arg0: i32) -> (i32, i32) {
    %c0_i32 = arith.constant 0 : i32
    %c0_i32_0 = arith.constant 0 : i32
    %c0_i32_1 = arith.constant 0 : i32
    return %c0_i32, %c0_i32_0 : i32, i32
  }
  func.func @transform_8(%arg0: i32) -> (i32, i32) {
    %c0_i32 = arith.constant 0 : i32
    %c0_i32_0 = arith.constant 0 : i32
    %c0_i32_1 = arith.constant 0 : i32
    return %c0_i32, %c0_i32_0 : i32, i32
  }
  func.func @transform_9(%arg0: i32) -> (i32, i32) {
    %c0_i32 = arith.constant 0 : i32
    %c0_i32_0 = arith.constant 0 : i32
    return %arg0, %c0_i32 : i32, i32
  }
}

</mosaic_0001>

<sc_bundles>
// kernel: kernel.6.cloned.1.call-start
scs
__scs_entry_jumppad:
0x0: {  	(pc) =	sbr.rel $0x88, $3  }
0x1: {  	(tag) =	ssettag $0x0;
	lr =	simm.s32 $0x1  }
0x2: {  	[smem:$0x3F97] =	sst lr;
	_ =	strace $0xD0000000  }
0x3: {  	_ = 	snop  }
0x4: {  	_ = 	snop  }
0x5: {  	_ = 	snop  }
0x6: {  	_ = 	snop  }
0x7: {  	_ = 	snop  }
__scs_overlays_trampoline_lowered:
0x8: {  	[smem:$0x3FA6] =	sst s0  }
0x9: {  	[smem:$0x3FA7] =	sst s1  }
0xa: {  	[smem:$0x3FA8] =	sst s2  }
0xb: {  	[smem:$0x3FA9] =	sst s3  }
0xc: {  	[smem:$0x3FAA] =	sst s4  }
0xd: {  	[smem:$0x3FAB] =	sst s5  }
0xe: {  	[smem:$0x3FAC] =	sst s6  }
0xf: {  	[smem:$0x3FAD] =	sst s7  }
0x10: {  	[smem:$0x3FAE] =	sst s8  }
0x11: {  	[smem:$0x3FAF] =	sst s9;
	s0 =	simm.s32 @!p0 $0x0  }
0x12: {  	s1 =	sld [smem:$0x3F95];
	s0 =	simm.s32 @p0 $0x1  }
0x13: {  	[smem:$0x3FB0] =	sst s0;
	s0 =	simm.s32 @!p1 $0x0  }
0x14: {  	s2 =	sld [smem:$0x3F94];
	s0 =	simm.s32 @p1 $0x1  }
0x15: {  	[smem:$0x3FB1] =	sst s0;
	s0 =	simm.s32 @!p2 $0x0  }
0x16: {  	s3 =	sld [smem:$0x3FDB];
	s0 =	simm.s32 @p2 $0x1  }
0x17: {  	s4 =	simm.s32 $0x1BF5;
	[smem:$0x3FB3] =	sst s0  }
0x18: {  	s0 =	sld [smem:$0x3F96];
	_ =	swait.ge [sflag:s4], $0x0  }
0x19: {  	s7 =	sld [smem:$0x3F97]  }
0x1a: {  	s8 =	sadd.s32 $0xFFFFE003, lr  }
0x1b: {  	s9 =	sadd.s32 $0xFFFFFEF7, lr;
	s5 =	simm.s32 $0xFFFFFFFF;
	p2 =	slt.u32 s8, $0xFFFFF086  }
0x1c: {  	p1 =	slt.u32 s9, $0xF7A;
	s5 =	simm.s32 @!p2 $0x0  }
0x1d: {  	s5 =	simm.s32 @p1 $0x1;
	p0 =	seq.s32 s7, s2  }
0x1e: {  	s7 =	smul.u32 @!p0 $0xF7A, s2;
	p2 =	seq.s32 @!p0 s5, $0x0  }
0x1f: {  	s9 =	smul.u32 $0xF7A, s1;
	s8 =	simm.s32 @!p0 $0x1BF5;
	p2 =	por !p2, p0  }
0x20: {  	[sflag:s8] =	ssyncset.s32 @!p0 $0xFFFFF086;
	s6 =	sadd.s32 @!p0 s3, s7;
	s7 =	simm.s32 @!p0 $0x108  }
0x21: {  	s3 =	sadd.s32 s3, s9;
	s6 =	sadd.s32 @!p0 $0x88, s6;
	s7 =	simm.s32 @p2 $0x1082  }
0x22: {  	[simem:s7], [sflag:s8] =	dma.local @!p0 [hbm:s6], $0xF7A  }
0x23: {  	s9 =	sor.u32 $0xD0000000, s2;
	s6 =	simm.s32 $0x108;
	_ =	swait.ge @!p0 [sflag:s8], $0x0  }
0x24: {  	s3 =	sadd.s32 $0x88, s3;
	s6 =	simm.s32 @!p1 $0x1082;
	[sflag:s4] =	ssyncset.s32 $0xFFFFF086  }
0x25: {  	[simem:s6], [sflag:s4] =	dma.local [hbm:s3], $0xF7A  }
0x26: {  	[smem:$0x3F97] =	sst s1;
	(tag) =	ssettag s2;
	_ =	strace s9  }
0x27: {  	s1 =	sld [smem:$0x3FA7]  }
0x28: {  	s2 =	sld [smem:$0x3FA8]  }
0x29: {  	s4 =	sld [smem:$0x3FAA]  }
0x2a: {  	p0 =	seq.s32 s5, $0x0;
	s5 =	sld [smem:$0x3FAB]  }
0x2b: {  	s6 =	sld [smem:$0x3FAC]  }
0x2c: {  	s7 =	sld [smem:$0x3FAD]  }
0x2d: {  	s3 =	simm.s32 $0x108;
	s8 =	sld [smem:$0x3FAE]  }
0x2e: {  	s3 =	simm.s32 @!p0 $0x1082;
	s9 =	sld [smem:$0x3FAF]  }
0x2f: {  	lr =	sadd.s32 s0, s3;
	s0 =	sld [smem:$0x3FA6]  }
0x30: {  	s3 =	sld [smem:$0x3FA9]  }
0x31: {  	[smem:$0x3FB2] =	sst s10  }
0x32: {  	s10 =	sld [smem:$0x3FB0];
	_ =	sdelay $0x3  }
0x33: {  	p0 =	seq.s32 s10, $0x1;
	s10 =	sld [smem:$0x3FB2];
	_ =	sdelay $0x3  }
0x34: {  	[smem:$0x3FB2] =	sst s10  }
0x35: {  	s10 =	sld [smem:$0x3FB1];
	_ =	sdelay $0x3  }
0x36: {  	p1 =	seq.s32 s10, $0x1;
	s10 =	sld [smem:$0x3FB2];
	_ =	sdelay $0x3  }
0x37: {  	[smem:$0x3FB2] =	sst s10  }
0x38: {  	s10 =	sld [smem:$0x3FB3]  }
0x39: {  	_ = 	snop;
	(pc) =	sbr.ind lr, $3  }
0x3a: {  	_ = 	snop  }
0x3b: {  	_ = 	snop  }
0x3c: {  	p2 =	seq.s32 s10, $0x1;
	s10 =	sld [smem:$0x3FB2]  }
0x3d: {  	_ =	shalt  }
0x3e: {  	_ =	shalt  }
0x3f: {  	_ =	shalt  }
0x40: {  	_ =	shalt  }
0x41: {  	_ =	shalt  }
0x42: {  	_ =	shalt  }
0x43: {  	_ =	shalt  }
0x44: {  	_ =	shalt  }
0x45: {  	_ =	shalt  }
0x46: {  	_ =	shalt  }
0x47: {  	_ =	shalt  }
0x48: {  	_ =	shalt  }
0x49: {  	_ =	shalt  }
0x4a: {  	_ =	shalt  }
0x4b: {  	_ =	shalt  }
0x4c: {  	_ =	shalt  }
0x4d: {  	_ =	shalt  }
0x4e: {  	_ =	shalt  }
0x4f: {  	_ =	shalt  }
0x50: {  	_ =	shalt  }
0x51: {  	_ =	shalt  }
0x52: {  	_ =	shalt  }
0x53: {  	_ =	shalt  }
0x54: {  	_ =	shalt  }
0x55: {  	_ =	shalt  }
0x56: {  	_ =	shalt  }
0x57: {  	_ =	shalt  }
0x58: {  	_ =	shalt  }
0x59: {  	_ =	shalt  }
0x5a: {  	_ =	shalt  }
0x5b: {  	_ =	shalt  }
0x5c: {  	_ =	shalt  }
0x5d: {  	_ =	shalt  }
0x5e: {  	_ =	shalt  }
0x5f: {  	_ =	shalt  }
0x60: {  	_ =	shalt  }
0x61: {  	_ =	shalt  }
0x62: {  	_ =	shalt  }
0x63: {  	_ =	shalt  }
0x64: {  	_ =	shalt  }
0x65: {  	_ =	shalt  }
0x66: {  	_ =	shalt  }
0x67: {  	_ =	shalt  }
0x68: {  	_ =	shalt  }
0x69: {  	_ =	shalt  }
0x6a: {  	_ =	shalt  }
0x6b: {  	_ =	shalt  }
0x6c: {  	_ =	shalt  }
0x6d: {  	_ =	shalt  }
0x6e: {  	_ =	shalt  }
0x6f: {  	_ =	shalt  }
0x70: {  	_ =	shalt  }
0x71: {  	_ =	shalt  }
0x72: {  	_ =	shalt  }
0x73: {  	_ =	shalt  }
0x74: {  	_ =	shalt  }
0x75: {  	_ =	shalt  }
0x76: {  	_ =	shalt  }
0x77: {  	_ =	shalt  }
0x78: {  	_ =	shalt  }
0x79: {  	_ =	shalt  }
0x7a: {  	_ =	shalt  }
0x7b: {  	_ =	shalt  }
0x7c: {  	_ =	shalt  }
0x7d: {  	_ =	shalt  }
0x7e: {  	_ =	shalt  }
0x7f: {  	_ =	shalt  }
0x80: {  	_ =	shalt  }
0x81: {  	_ =	shalt  }
0x82: {  	_ =	shalt  }
0x83: {  	_ =	shalt  }
0x84: {  	_ =	shalt  }
0x85: {  	_ =	shalt  }
0x86: {  	_ =	shalt  }
0x87: {  	_ =	shalt  }
.Lfunc_end0:
.L_simem_size_0:
called_computation_lowered:
.L_overlay_start_0:
0x88: {  	s2 =	sld [smem:$0x3FD9]  }
0x89: {  	s3 =	sld [smem:$0x3FFE];
	_ =	sdelay $0x1  }
0x8a: {  	s1 =	srdreg.scid  }
0x8b: {  	s0 =	sand.u32 $0x1, s1  }
0x8c: {  	s17 =	sshll.u32 s0, $0xA;
	s2 =	sadd.s32 s3, s2  }
0x8d: {  	s2 =	sadd.s32 s2, s17  }
0x8e: {  	[smem:$0x3FBE] =	sst s2  }
0x8f: {  	_ = 	snop  }
0x90: {  	s2 =	sld [smem:$0x3FC5]  }
0x91: {  	s18 =	sld [smem:$0x3FD0];
	(tm) =	ssettm $0x1  }
0x92: {  	s4 =	sld [smem:$0x3FFB];
	_ =	sdelay $0x3  }
0x93: {  	_ =	strace s4  }
0x94: {  	s4 =	sld [smem:$0x3FFC];
	_ =	sdelay $0x3  }
0x95: {  	_ =	strace s4  }
0x96: {  	s4 =	sld [smem:$0x3FFD];
	_ =	sdelay $0x3  }
0x97: {  	_ =	strace s4  }
0x98: {  	_ =	strace $0x8FFFFFFF  }
0x99: {  	s19 =	sld [smem:$0x3FDB];
	_ =	sdelay $0x1  }
0x9a: {  	s5 =	simm.s32 $_scs_section_size  }
0x9b: {  	s6 =	simm.s32 $_size__tile_overlayer_lowered;
	s7 =	simm.s32 $_tile_overlayer_lowered  }
0x9c: {  	s22 =	simm.s32 $0x1BFF;
	s21 =	sshll.u32 s7, $0x1;
	s4 =	sadd.s32 s5, s19  }
0x9d: {  	s8 =	simm.s32 $0x0;
	s20 =	sshll.u32 s6, $0x1;
	s6 =	sadd.s32 s21, s4  }
0x9e: {  	[timem:s8], [sflag:s22] =	dma.local [hbm:s6], s20  }
0x9f: {  	_ =	swait.ge [sflag:s22], s20  }
0xa0: {  	s5 =	ssub.s32 $0x0, s20;
	[sflag:s22] =	ssyncset.done $0x0  }
0xa1: {  	[sflag:s22] =	ssyncadd.s32 s5;
	_ =	sdelay $0x1  }
0xa2: {  	s23 =	simm.s32 $0x1B8B  }
0xa3: {  	_ =	swait.ge [sflag:s23], $0x1  }
0xa4: {  	[sflag:s23] =	ssyncset.done $0x0  }
0xa5: {  	s25 =	simm.s32 $0x1B8E;
	s24 =	sld [smem:$0x3FFE];
	[sflag:s23] =	ssyncadd.s32 $0xFFFFFFFF  }
0xa6: {  	s26 =	simm.s32 $execute0_lowered;
	[smem:$0x3FD2] =	sst s25  }
0xa7: {  	s6 =	sshll.u32 s26, $0x1;
	_ =	strace $0x80000046;
	[dreg:$0x1] =	wrdreg $0xFFFFFFFF  }
0xa8: {  	s28 =	simm.s32 $_size_execute0_lowered;
	s4 =	sadd.s32 s4, s6;
	[dreg:$0x0] =	wrdreg $0x0  }
0xa9: {  	s6 =	sshll.u32 s28, $0x1;
	[dreg:$0x2] =	wrdreg s4  }
0xaa: {  	[dreg:$0x3] =	wrdreg s6  }
0xab: {  	[dreg:$0x4] =	wrdreg $0xC0  }
0xac: {  	_ =	task [dreg:s8], $0x5FFFF  }
0xad: {  	[dreg:$0x1] =	wrdreg $0xFFFFFFFF  }
0xae: {  	[dreg:$0x0] =	wrdreg $0x60  }
0xaf: {  	[dreg:$0x2] =	wrdreg s18  }
0xb0: {  	[dreg:$0x3] =	wrdreg s2  }
0xb1: {  	[dreg:$0x4] =	wrdreg s24  }
0xb2: {  	[dreg:$0x5] =	wrdreg $0x9  }
0xb3: {  	_ =	task.clear_ibuf [dreg:s8], $0x6FFFF;
	_ =	strace $0x90000046  }
0xb4: {  	s29 =	simm.s32 $0x9;
	_ =	strace $0x80000048  }
0xb5: {  	_ =	swait.ge [sflag:s29], $0x1  }
0xb6: {  	[sflag:s29] =	ssyncadd.s32 $0xFFFFFFFF  }
0xb7: {  	_ =	strace $0x90000048  }
0xb8: {  	_ =	sfence  }
0xb9: {  	s30 =	sld [smem:$0x0];
	_ =	sdelay $0x2  }
0xba: {  	s31 =	sshll.u32 s1, $0xD;
	s1 =	sshrl.u32 s1, $0x2  }
0xbb: {  	s3 =	sand.u32 $0x4000, s31;
	s1 =	sadd.s32 s1, s30  }
0xbc: {  	s0 =	sor.u32 s3, s0;
	s1 =	sshll.u32 s1, $0x11  }
0xbd: {  	s0 =	sor.u32 s1, s0  }
0xbe: {  	s0 =	sadd.s32 $0x8F2B, s0  }
0xbf: {  	[sflag:s0] =	ssyncadd.remote.s32 $0x1  }
0xc0: {  	_ =	sfence.sel $0xFFFF  }
0xc1: {  	[dreg:$0x0] =	wrdreg $0xFFFFFFFF;
	(pc) =	sbr.abs _section_cstart, $3  }
0xc2: {  	[dreg:$0x1] =	wrdreg $0xFFFFFFFF  }
0xc3: {  	_ =	task.clear_ibuf [dreg:s8], $0x2FFFF;
	_ =	strace $0x9FFFFFFF  }
0xc4: {  	(tm) =	ssettm $0x7FFFFFFF  }
0xc5: {  	_ =	shalt  }
tec
execute0_lowered:
.L_overlay_start_1:
0x0: {  	(tag) =	ssettag $0x1  }
0x1: {  	s1 =	rddreg [dreg:$0x0]  }
0x2: {  	s0 =	srdreg.scid;
	s2 =	rddreg [dreg:$0x1]  }
0x3: {  	s3 =	stileid.u32;
	s5 =	rddreg [dreg:$0x2]  }
0x4: {  	s12 =	simm.s32 $0x2;
	s13 =	simm.s32 $0x3;
	s14 =	simm.s32 $0x4  }
0x5: {  	s10 =	simm.s32 $0x100;
	s16 =	simm.s32 $0x900;
	s17 =	simm.s32 $0x1100  }
0x6: {  	s18 =	simm.s32 $0x1900;
	s19 =	simm.s32 $0x2100;
	s20 =	simm.s32 $0x2900  }
0x7: {  	s21 =	simm.s32 $0x3100;
	s28 =	simm.s32 $0x6100;
	s29 =	simm.s32 $0x6900  }
0x8: {  	s30 =	simm.s32 $0x7100;
	s31 =	simm.s32 $0x7900;
	s11 =	simm.s32 $0x9100  }
0x9: {  	s8 =	simm.s32 $0x9900;
	s9 =	simm.s32 $0xA100;
	s0 =	sand.u32 $0x1, s0  }
0xa: {  	s3 =	sshll.u32 s3, $0x6;
	s5 =	sadd.s32 $0x2600, s5;
	s4 =	sshll.u32 s0, $0x5  }
0xb: {  	s0 =	ssub.s32 $0x2, s0;
	s4 =	sor.u32 s4, s3;
	s3 =	simm.s32 $0x0  }
0xc: {  	s24 =	sshrl.u32 s0, $0x1;
	s6 =	smul.u32 $0x300, s4;
	[smem:$0x7FF] =	sst s3  }
0xd: {  	s7 =	smul.u32 $0x1800, s4;
	s1 =	sadd.s32 s1, s4;
	s0 =	ssub.s32 s0, s24  }
0xe: {  	s24 =	simm.s32 $0x4900;
	_ =	strace $0x80000047;
	[dreg:$0x4] =	wrdreg s1  }
0xf: {  	s1 =	simm.s32 $0xC100;
	s6 =	sadd.s32 s5, s6;
	s22 =	sshrl.u32 s7, $0x3  }
0x10: {  	s7 =	smax.u32 s0, $0x1;
	[dreg:$0x8] =	wrdreg s6;
	s23 =	sadd.s32 $0x1800, s6  }
0x11: {  	s4 =	sadd.s32 s5, s22;
	s5 =	sadd.s32 $0x100, s2;
	s6 =	sadd.s32 $0x200, s2  }
0x12: {  	v2 =	vlaneseq.u32;
	s22 =	simm.s32 $0x3900;
	[dreg:$0x5] =	wrdreg s23;
	s25 =	sadd.s32 $0x3000, s4  }
0x13: {  	vm0 =	vmmov $0xffff;
	v1 =	vshrl.u32 v2, $0x3;
	s26 =	sadd.s32 $0x4800, s4;
	s23 =	simm.s32 $0x4100;
	[dreg:$0x6] =	wrdreg s25  }
0x14: {  	v0 =	vand.u32 $0x7, v2;
	v2 =	vor.u32 $0x8, v2;
	v1 =	vmul.u32 $0x8, v1;
	[dreg:$0x7] =	wrdreg s26;
	s25 =	simm.s32 $0x5100;
	s26 =	simm.s32 $0x5900  }
.LBB2_1:
0x15: {  	s15 =	rddreg [dreg:$0x4];
	s0 =	simm.s32 $0x5  }
0x16: {  	[tilespmem:s3], [sflag:$0x5] =	stream.linear.gather [hbm4b:s15+s3], $0x100, $0x38;
	[tilespmem:$0x18100] =	vst v63  }
0x17: {  	_ =	swait.ge [sflag:s0], $0x100  }
0x18: {  	[sflag:s0] =	ssyncset.done $0x0  }
0x19: {  	[sflag:s0] =	ssyncadd.s32 $0xFFFFFF00  }
0x1a: {  	v3 =	vld [tilespmem:$0x0];
	_ =	sdelay $0x4  }
0x1b: {  	v4 =	vshrl.u32 v3, $0x3  }
0x1c: {  	v4 =	vmul.u32 $0x30, v4  }
0x1d: {  	v3 =	vand.u32 $0x7, v3  }
0x1e: {  	v3 =	vor.u32 v3, v4  }
0x1f: {  	v4 =	vperm.xlane v3, v0;
	_ =	sdelay $0x1  }
0x20: {  	v4 =	vadd.s32 v1, v4;
	_ =	sdelay $0x3  }
0x21: {  	v3 =	vperm.xlane v3, v2  }
0x22: {  	[tilespmem:s10], [sflag:$0x1] =	stream.indirect_vreg.gather [hbm4b:s2+s3], $0x80, v4, vm0, $0xb8;
	[tilespmem:$0x18100] =	vst v63  }
0x23: {  	v3 =	vadd.s32 v1, v3  }
0x24: {  	[tilespmem:s16], [sflag:$0x1] =	stream.indirect_vreg.gather [hbm4b:s5+s3], $0x80, v4, vm0, $0xb8;
	[tilespmem:$0x18100] =	vst v63  }
0x25: {  	_ = 	snop  }
0x26: {  	[tilespmem:s17], [sflag:$0x1] =	stream.indirect_vreg.gather [hbm4b:s6+s3], $0x80, v4, vm0, $0xb8;
	[tilespmem:$0x18100] =	vst v63  }
0x27: {  	_ = 	snop  }
0x28: {  	[tilespmem:s18], [sflag:$0x1] =	stream.indirect_vreg.gather [hbm4b:s2+s3], $0x80, v3, vm0, $0xb8;
	[tilespmem:$0x18100] =	vst v63  }
0x29: {  	_ = 	snop  }
0x2a: {  	[tilespmem:s19], [sflag:$0x1] =	stream.indirect_vreg.gather [hbm4b:s5+s3], $0x80, v3, vm0, $0xb8;
	[tilespmem:$0x18100] =	vst v63  }
0x2b: {  	_ = 	snop  }
0x2c: {  	[tilespmem:s20], [sflag:$0x1] =	stream.indirect_vreg.gather [hbm4b:s6+s3], $0x80, v3, vm0, $0xb8;
	[tilespmem:$0x18100] =	vst v63  }
0x2d: {  	v3 =	vld [tilespmem:$0x10];
	_ =	sdelay $0x4  }
0x2e: {  	v49 =	vshrl.u32 v3, $0x3  }
0x2f: {  	v4 =	vmul.u32 $0x30, v49  }
0x30: {  	v3 =	vand.u32 $0x7, v3  }
0x31: {  	v3 =	vor.u32 v3, v4  }
0x32: {  	v4 =	vperm.xlane v3, v0;
	_ =	sdelay $0x1  }
0x33: {  	v4 =	vadd.s32 v1, v4;
	_ =	sdelay $0x3  }
0x34: {  	v3 =	vperm.xlane v3, v2  }
0x35: {  	[tilespmem:s21], [sflag:$0x1] =	stream.indirect_vreg.gather [hbm4b:s2+s3], $0x80, v4, vm0, $0xb8;
	[tilespmem:$0x18100] =	vst v63  }
0x36: {  	v3 =	vadd.s32 v1, v3  }
0x37: {  	[tilespmem:s22], [sflag:$0x1] =	stream.indirect_vreg.gather [hbm4b:s5+s3], $0x80, v4, vm0, $0xb8;
	[tilespmem:$0x18100] =	vst v63  }
0x38: {  	_ = 	snop  }
0x39: {  	[tilespmem:s23], [sflag:$0x1] =	stream.indirect_vreg.gather [hbm4b:s6+s3], $0x80, v4, vm0, $0xb8;
	[tilespmem:$0x18100] =	vst v63  }
0x3a: {  	_ = 	snop  }
0x3b: {  	[tilespmem:s24], [sflag:$0x1] =	stream.indirect_vreg.gather [hbm4b:s2+s3], $0x80, v3, vm0, $0xb8;
	[tilespmem:$0x18100] =	vst v63  }
0x3c: {  	_ = 	snop  }
0x3d: {  	[tilespmem:s25], [sflag:$0x1] =	stream.indirect_vreg.gather [hbm4b:s5+s3], $0x80, v3, vm0, $0xb8;
	[tilespmem:$0x18100] =	vst v63  }
0x3e: {  	_ = 	snop  }
0x3f: {  	[tilespmem:s26], [sflag:$0x1] =	stream.indirect_vreg.gather [hbm4b:s6+s3], $0x80, v3, vm0, $0xb8;
	[tilespmem:$0x18100] =	vst v63  }
0x40: {  	v3 =	vld [tilespmem:$0x20];
	_ =	sdelay $0x4  }
0x41: {  	v50 =	vshrl.u32 v3, $0x3  }
0x42: {  	v4 =	vmul.u32 $0x30, v50  }
0x43: {  	v3 =	vand.u32 $0x7, v3  }
0x44: {  	v3 =	vor.u32 v3, v4  }
0x45: {  	v4 =	vperm.xlane v3, v0;
	_ =	sdelay $0x1  }
0x46: {  	v4 =	vadd.s32 v1, v4;
	_ =	sdelay $0x3  }
0x47: {  	v3 =	vperm.xlane v3, v2  }
0x48: {  	[tilespmem:s28], [sflag:$0x1] =	stream.indirect_vreg.gather [hbm4b:s2+s3], $0x80, v4, vm0, $0xb8;
	[tilespmem:$0x18100] =	vst v63  }
0x49: {  	v3 =	vadd.s32 v1, v3  }
0x4a: {  	[tilespmem:s29], [sflag:$0x1] =	stream.indirect_vreg.gather [hbm4b:s5+s3], $0x80, v4, vm0, $0xb8;
	[tilespmem:$0x18100] =	vst v63  }
0x4b: {  	_ = 	snop  }
0x4c: {  	[tilespmem:s30], [sflag:$0x1] =	stream.indirect_vreg.gather [hbm4b:s6+s3], $0x80, v4, vm0, $0xb8;
	[tilespmem:$0x18100] =	vst v63  }
0x4d: {  	_ = 	snop  }
0x4e: {  	[tilespmem:s31], [sflag:$0x1] =	stream.indirect_vreg.gather [hbm4b:s2+s3], $0x80, v3, vm0, $0xb8;
	[tilespmem:$0x18100] =	vst v63  }
0x4f: {  	s15 =	simm.s32 $0x8100  }
0x50: {  	[tilespmem:s15], [sflag:$0x1] =	stream.indirect_vreg.gather [hbm4b:s5+s3], $0x80, v3, vm0, $0xb8;
	[tilespmem:$0x18100] =	vst v63  }
0x51: {  	s4 =	simm.s32 $0x8900  }
0x52: {  	[tilespmem:s4], [sflag:$0x1] =	stream.indirect_vreg.gather [hbm4b:s6+s3], $0x80, v3, vm0, $0xb8;
	[tilespmem:$0x18100] =	vst v63  }
0x53: {  	v3 =	vld [tilespmem:$0x30];
	_ =	sdelay $0x4  }
0x54: {  	v51 =	vshrl.u32 v3, $0x3  }
0x55: {  	v4 =	vmul.u32 $0x30, v51  }
0x56: {  	v3 =	vand.u32 $0x7, v3  }
0x57: {  	v3 =	vor.u32 v3, v4  }
0x58: {  	v4 =	vperm.xlane v3, v0;
	_ =	sdelay $0x1  }
0x59: {  	v4 =	vadd.s32 v1, v4;
	_ =	sdelay $0x3  }
0x5a: {  	v3 =	vperm.xlane v3, v2  }
0x5b: {  	[tilespmem:s11], [sflag:$0x1] =	stream.indirect_vreg.gather [hbm4b:s2+s3], $0x80, v4, vm0, $0xb8;
	[tilespmem:$0x18100] =	vst v63  }
0x5c: {  	v3 =	vadd.s32 v1, v3  }
0x5d: {  	[tilespmem:s8], [sflag:$0x1] =	stream.indirect_vreg.gather [hbm4b:s5+s3], $0x80, v4, vm0, $0xb8;
	[tilespmem:$0x18100] =	vst v63  }
0x5e: {  	_ = 	snop  }
0x5f: {  	[tilespmem:s9], [sflag:$0x1] =	stream.indirect_vreg.gather [hbm4b:s6+s3], $0x80, v4, vm0, $0xb8;
	[tilespmem:$0x18100] =	vst v63  }
0x60: {  	s4 =	simm.s32 $0xA900  }
0x61: {  	[tilespmem:s4], [sflag:$0x1] =	stream.indirect_vreg.gather [hbm4b:s2+s3], $0x80, v3, vm0, $0xb8;
	[tilespmem:$0x18100] =	vst v63  }
0x62: {  	s15 =	simm.s32 $0xB100  }
0x63: {  	[tilespmem:s15], [sflag:$0x1] =	stream.indirect_vreg.gather [hbm4b:s5+s3], $0x80, v3, vm0, $0xb8;
	[tilespmem:$0x18100] =	vst v63  }
0x64: {  	s0 =	simm.s32 $0x1;
	s15 =	simm.s32 $0xB900  }
0x65: {  	[tilespmem:s15], [sflag:$0x1] =	stream.indirect_vreg.gather [hbm4b:s6+s3], $0x80, v3, vm0, $0xb8;
	[tilespmem:$0x18100] =	vst v63  }
0x66: {  	_ =	swait.ge [sflag:s0], $0xC000  }
0x67: {  	[sflag:s0] =	ssyncset.done $0x0  }
0x68: {  	s15 =	rddreg [dreg:$0x8];
	[sflag:s0] =	ssyncadd.s32 $0xFFFF4000  }
0x69: {  	[hbm4b:s15+s3] =	stream.linear.scatter [tilespmem:s10], [sflag:$0x3], $0xC000, $0x38;
	[tilespmem:$0x18100] =	vst v63  }
0x6a: {  	v3 =	vld [tilespmem:$0x40];
	_ =	sdelay $0x4  }
0x6b: {  	v52 =	vshrl.u32 v3, $0x3  }
0x6c: {  	v4 =	vmul.u32 $0x30, v52  }
0x6d: {  	v3 =	vand.u32 $0x7, v3  }
0x6e: {  	v3 =	vor.u32 v3, v4  }
0x6f: {  	v4 =	vperm.xlane v3, v0;
	_ =	sdelay $0x1  }
0x70: {  	v4 =	vadd.s32 v1, v4;
	_ =	sdelay $0x3  }
0x71: {  	v3 =	vperm.xlane v3, v2  }
0x72: {  	[tilespmem:s1], [sflag:$0x2] =	stream.indirect_vreg.gather [hbm4b:s2+s3], $0x80, v4, vm0, $0xb8;
	[tilespmem:$0x18100] =	vst v63  }
0x73: {  	s15 =	simm.s32 $0xC900;
	v3 =	vadd.s32 v1, v3  }
0x74: {  	[tilespmem:s15], [sflag:$0x2] =	stream.indirect_vreg.gather [hbm4b:s5+s3], $0x80, v4, vm0, $0xb8;
	[tilespmem:$0x18100] =	vst v63  }
0x75: {  	s15 =	simm.s32 $0xD100  }
0x76: {  	[tilespmem:s15], [sflag:$0x2] =	stream.indirect_vreg.gather [hbm4b:s6+s3], $0x80, v4, vm0, $0xb8;
	[tilespmem:$0x18100] =	vst v63  }
0x77: {  	s15 =	simm.s32 $0xD900  }
0x78: {  	[tilespmem:s15], [sflag:$0x2] =	stream.indirect_vreg.gather [hbm4b:s2+s3], $0x80, v3, vm0, $0xb8;
	[tilespmem:$0x18100] =	vst v63  }
0x79: {  	s15 =	simm.s32 $0xE100  }
0x7a: {  	[tilespmem:s15], [sflag:$0x2] =	stream.indirect_vreg.gather [hbm4b:s5+s3], $0x80, v3, vm0, $0xb8;
	[tilespmem:$0x18100] =	vst v63  }
0x7b: {  	s15 =	simm.s32 $0xE900  }
0x7c: {  	[tilespmem:s15], [sflag:$0x2] =	stream.indirect_vreg.gather [hbm4b:s6+s3], $0x80, v3, vm0, $0xb8;
	[tilespmem:$0x18100] =	vst v63  }
0x7d: {  	v3 =	vld [tilespmem:$0x50];
	_ =	sdelay $0x4  }
0x7e: {  	v53 =	vshrl.u32 v3, $0x3  }
0x7f: {  	v4 =	vmul.u32 $0x30, v53  }
0x80: {  	v3 =	vand.u32 $0x7, v3  }
0x81: {  	v3 =	vor.u32 v3, v4  }
0x82: {  	v4 =	vperm.xlane v3, v0;
	_ =	sdelay $0x1  }
0x83: {  	v4 =	vadd.s32 v1, v4;
	_ =	sdelay $0x3  }
0x84: {  	s15 =	simm.s32 $0xF100;
	v3 =	vperm.xlane v3, v2  }
0x85: {  	[tilespmem:s15], [sflag:$0x2] =	stream.indirect_vreg.gather [hbm4b:s2+s3], $0x80, v4, vm0, $0xb8;
	[tilespmem:$0x18100] =	vst v63  }
0x86: {  	v3 =	vadd.s32 v1, v3;
	s15 =	simm.s32 $0xF900  }
0x87: {  	[tilespmem:s15], [sflag:$0x2] =	stream.indirect_vreg.gather [hbm4b:s5+s3], $0x80, v4, vm0, $0xb8;
	[tilespmem:$0x18100] =	vst v63  }
0x88: {  	s15 =	simm.s32 $0x10100  }
0x89: {  	[tilespmem:s15], [sflag:$0x2] =	stream.indirect_vreg.gather [hbm4b:s6+s3], $0x80, v4, vm0, $0xb8;
	[tilespmem:$0x18100] =	vst v63  }
0x8a: {  	s15 =	simm.s32 $0x10900  }
0x8b: {  	[tilespmem:s15], [sflag:$0x2] =	stream.indirect_vreg.gather [hbm4b:s2+s3], $0x80, v3, vm0, $0xb8;
	[tilespmem:$0x18100] =	vst v63  }
0x8c: {  	s15 =	simm.s32 $0x11100  }
0x8d: {  	[tilespmem:s15], [sflag:$0x2] =	stream.indirect_vreg.gather [hbm4b:s5+s3], $0x80, v3, vm0, $0xb8;
	[tilespmem:$0x18100] =	vst v63  }
0x8e: {  	s15 =	simm.s32 $0x11900  }
0x8f: {  	[tilespmem:s15], [sflag:$0x2] =	stream.indirect_vreg.gather [hbm4b:s6+s3], $0x80, v3, vm0, $0xb8;
	[tilespmem:$0x18100] =	vst v63  }
0x90: {  	v3 =	vld [tilespmem:$0x60];
	_ =	sdelay $0x4  }
0x91: {  	v54 =	vshrl.u32 v3, $0x3  }
0x92: {  	v4 =	vmul.u32 $0x30, v54  }
0x93: {  	v3 =	vand.u32 $0x7, v3  }
0x94: {  	v3 =	vor.u32 v3, v4  }
0x95: {  	v4 =	vperm.xlane v3, v0;
	_ =	sdelay $0x1  }
0x96: {  	v4 =	vadd.s32 v1, v4;
	_ =	sdelay $0x3  }
0x97: {  	s15 =	simm.s32 $0x12100;
	v3 =	vperm.xlane v3, v2  }
0x98: {  	[tilespmem:s15], [sflag:$0x2] =	stream.indirect_vreg.gather [hbm4b:s2+s3], $0x80, v4, vm0, $0xb8;
	[tilespmem:$0x18100] =	vst v63  }
0x99: {  	v3 =	vadd.s32 v1, v3;
	s15 =	simm.s32 $0x12900  }
0x9a: {  	[tilespmem:s15], [sflag:$0x2] =	stream.indirect_vreg.gather [hbm4b:s5+s3], $0x80, v4, vm0, $0xb8;
	[tilespmem:$0x18100] =	vst v63  }
0x9b: {  	s15 =	simm.s32 $0x13100  }
0x9c: {  	[tilespmem:s15], [sflag:$0x2] =	stream.indirect_vreg.gather [hbm4b:s6+s3], $0x80, v4, vm0, $0xb8;
	[tilespmem:$0x18100] =	vst v63  }
0x9d: {  	s15 =	simm.s32 $0x13900  }
0x9e: {  	[tilespmem:s15], [sflag:$0x2] =	stream.indirect_vreg.gather [hbm4b:s2+s3], $0x80, v3, vm0, $0xb8;
	[tilespmem:$0x18100] =	vst v63  }
0x9f: {  	s15 =	simm.s32 $0x14100  }
0xa0: {  	[tilespmem:s15], [sflag:$0x2] =	stream.indirect_vreg.gather [hbm4b:s5+s3], $0x80, v3, vm0, $0xb8;
	[tilespmem:$0x18100] =	vst v63  }
0xa1: {  	s15 =	simm.s32 $0x14900  }
0xa2: {  	[tilespmem:s15], [sflag:$0x2] =	stream.indirect_vreg.gather [hbm4b:s6+s3], $0x80, v3, vm0, $0xb8;
	[tilespmem:$0x18100] =	vst v63  }
0xa3: {  	v3 =	vld [tilespmem:$0x70];
	_ =	sdelay $0x4  }
0xa4: {  	v55 =	vshrl.u32 v3, $0x3  }
0xa5: {  	v4 =	vmul.u32 $0x30, v55  }
0xa6: {  	v3 =	vand.u32 $0x7, v3  }
0xa7: {  	v3 =	vor.u32 v3, v4  }
0xa8: {  	v4 =	vperm.xlane v3, v0;
	_ =	sdelay $0x1  }
0xa9: {  	v4 =	vadd.s32 v1, v4;
	_ =	sdelay $0x3  }
0xaa: {  	s15 =	simm.s32 $0x15100;
	v3 =	vperm.xlane v3, v2  }
0xab: {  	[tilespmem:s15], [sflag:$0x2] =	stream.indirect_vreg.gather [hbm4b:s2+s3], $0x80, v4, vm0, $0xb8;
	[tilespmem:$0x18100] =	vst v63  }
0xac: {  	v3 =	vadd.s32 v1, v3;
	s15 =	simm.s32 $0x15900  }
0xad: {  	[tilespmem:s15], [sflag:$0x2] =	stream.indirect_vreg.gather [hbm4b:s5+s3], $0x80, v4, vm0, $0xb8;
	[tilespmem:$0x18100] =	vst v63  }
0xae: {  	s15 =	simm.s32 $0x16100  }
0xaf: {  	[tilespmem:s15], [sflag:$0x2] =	stream.indirect_vreg.gather [hbm4b:s6+s3], $0x80, v4, vm0, $0xb8;
	[tilespmem:$0x18100] =	vst v63  }
0xb0: {  	s15 =	simm.s32 $0x16900  }
0xb1: {  	[tilespmem:s15], [sflag:$0x2] =	stream.indirect_vreg.gather [hbm4b:s2+s3], $0x80, v3, vm0, $0xb8;
	[tilespmem:$0x18100] =	vst v63  }
0xb2: {  	s15 =	simm.s32 $0x17100  }
0xb3: {  	[tilespmem:s15], [sflag:$0x2] =	stream.indirect_vreg.gather [hbm4b:s5+s3], $0x80, v3, vm0, $0xb8;
	[tilespmem:$0x18100] =	vst v63  }
0xb4: {  	s15 =	simm.s32 $0x17900  }
0xb5: {  	[tilespmem:s15], [sflag:$0x2] =	stream.indirect_vreg.gather [hbm4b:s6+s3], $0x80, v3, vm0, $0xb8;
	[tilespmem:$0x18100] =	vst v63  }
0xb6: {  	_ =	swait.ge [sflag:s12], $0xC000  }
0xb7: {  	[sflag:s12] =	ssyncset.done $0x0  }
0xb8: {  	s15 =	rddreg [dreg:$0x5];
	[sflag:s12] =	ssyncadd.s32 $0xFFFF4000  }
0xb9: {  	[hbm4b:s15+s3] =	stream.linear.scatter [tilespmem:s1], [sflag:$0x4], $0xC000, $0x38;
	[tilespmem:$0x18100] =	vst v63  }
0xba: {  	_ =	swait.ge [sflag:s13], $0xC000  }
0xbb: {  	[sflag:s13] =	ssyncset.done $0x0  }
0xbc: {  	[sflag:s13] =	ssyncadd.s32 $0xFFFF4000  }
0xbd: {  	v3 =	vld [tilespmem:$0x80];
	_ =	sdelay $0x4  }
0xbe: {  	v56 =	vshrl.u32 v3, $0x3  }
0xbf: {  	v4 =	vmul.u32 $0x30, v56  }
0xc0: {  	v3 =	vand.u32 $0x7, v3  }
0xc1: {  	v3 =	vor.u32 v3, v4  }
0xc2: {  	v4 =	vperm.xlane v3, v0;
	_ =	sdelay $0x1  }
0xc3: {  	v4 =	vadd.s32 v1, v4;
	_ =	sdelay $0x3  }
0xc4: {  	v3 =	vperm.xlane v3, v2  }
0xc5: {  	[tilespmem:s10], [sflag:$0x1] =	stream.indirect_vreg.gather [hbm4b:s2+s3], $0x80, v4, vm0, $0xb8;
	[tilespmem:$0x18100] =	vst v63  }
0xc6: {  	v3 =	vadd.s32 v1, v3  }
0xc7: {  	[tilespmem:s16], [sflag:$0x1] =	stream.indirect_vreg.gather [hbm4b:s5+s3], $0x80, v4, vm0, $0xb8;
	[tilespmem:$0x18100] =	vst v63  }
0xc8: {  	_ = 	snop  }
0xc9: {  	[tilespmem:s17], [sflag:$0x1] =	stream.indirect_vreg.gather [hbm4b:s6+s3], $0x80, v4, vm0, $0xb8;
	[tilespmem:$0x18100] =	vst v63  }
0xca: {  	_ = 	snop  }
0xcb: {  	[tilespmem:s18], [sflag:$0x1] =	stream.indirect_vreg.gather [hbm4b:s2+s3], $0x80, v3, vm0, $0xb8;
	[tilespmem:$0x18100] =	vst v63  }
0xcc: {  	_ = 	snop  }
0xcd: {  	[tilespmem:s19], [sflag:$0x1] =	stream.indirect_vreg.gather [hbm4b:s5+s3], $0x80, v3, vm0, $0xb8;
	[tilespmem:$0x18100] =	vst v63  }
0xce: {  	_ = 	snop  }
0xcf: {  	[tilespmem:s20], [sflag:$0x1] =	stream.indirect_vreg.gather [hbm4b:s6+s3], $0x80, v3, vm0, $0xb8;
	[tilespmem:$0x18100] =	vst v63  }
0xd0: {  	v3 =	vld [tilespmem:$0x90];
	_ =	sdelay $0x4  }
0xd1: {  	v57 =	vshrl.u32 v3, $0x3  }
0xd2: {  	v4 =	vmul.u32 $0x30, v57  }
0xd3: {  	v3 =	vand.u32 $0x7, v3  }
0xd4: {  	v3 =	vor.u32 v3, v4  }
0xd5: {  	v4 =	vperm.xlane v3, v0;
	_ =	sdelay $0x1  }
0xd6: {  	v4 =	vadd.s32 v1, v4;
	_ =	sdelay $0x3  }
0xd7: {  	v3 =	vperm.xlane v3, v2  }
0xd8: {  	[tilespmem:s21], [sflag:$0x1] =	stream.indirect_vreg.gather [hbm4b:s2+s3], $0x80, v4, vm0, $0xb8;
	[tilespmem:$0x18100] =	vst v63  }
0xd9: {  	v3 =	vadd.s32 v1, v3  }
0xda: {  	[tilespmem:s22], [sflag:$0x1] =	stream.indirect_vreg.gather [hbm4b:s5+s3], $0x80, v4, vm0, $0xb8;
	[tilespmem:$0x18100] =	vst v63  }
0xdb: {  	_ = 	snop  }
0xdc: {  	[tilespmem:s23], [sflag:$0x1] =	stream.indirect_vreg.gather [hbm4b:s6+s3], $0x80, v4, vm0, $0xb8;
	[tilespmem:$0x18100] =	vst v63  }
0xdd: {  	_ = 	snop  }
0xde: {  	[tilespmem:s24], [sflag:$0x1] =	stream.indirect_vreg.gather [hbm4b:s2+s3], $0x80, v3, vm0, $0xb8;
	[tilespmem:$0x18100] =	vst v63  }
0xdf: {  	_ = 	snop  }
0xe0: {  	[tilespmem:s25], [sflag:$0x1] =	stream.indirect_vreg.gather [hbm4b:s5+s3], $0x80, v3, vm0, $0xb8;
	[tilespmem:$0x18100] =	vst v63  }
0xe1: {  	_ = 	snop  }
0xe2: {  	[tilespmem:s26], [sflag:$0x1] =	stream.indirect_vreg.gather [hbm4b:s6+s3], $0x80, v3, vm0, $0xb8;
	[tilespmem:$0x18100] =	vst v63  }
0xe3: {  	v3 =	vld [tilespmem:$0xA0];
	_ =	sdelay $0x4  }
0xe4: {  	v58 =	vshrl.u32 v3, $0x3  }
0xe5: {  	v4 =	vmul.u32 $0x30, v58  }
0xe6: {  	v3 =	vand.u32 $0x7, v3  }
0xe7: {  	v3 =	vor.u32 v3, v4  }
0xe8: {  	v4 =	vperm.xlane v3, v0;
	_ =	sdelay $0x1  }
0xe9: {  	v4 =	vadd.s32 v1, v4;
	_ =	sdelay $0x3  }
0xea: {  	v3 =	vperm.xlane v3, v2  }
0xeb: {  	[tilespmem:s28], [sflag:$0x1] =	stream.indirect_vreg.gather [hbm4b:s2+s3], $0x80, v4, vm0, $0xb8;
	[tilespmem:$0x18100] =	vst v63  }
0xec: {  	v3 =	vadd.s32 v1, v3  }
0xed: {  	[tilespmem:s29], [sflag:$0x1] =	stream.indirect_vreg.gather [hbm4b:s5+s3], $0x80, v4, vm0, $0xb8;
	[tilespmem:$0x18100] =	vst v63  }
0xee: {  	_ = 	snop  }
0xef: {  	[tilespmem:s30], [sflag:$0x1] =	stream.indirect_vreg.gather [hbm4b:s6+s3], $0x80, v4, vm0, $0xb8;
	[tilespmem:$0x18100] =	vst v63  }
0xf0: {  	_ = 	snop  }
0xf1: {  	[tilespmem:s31], [sflag:$0x1] =	stream.indirect_vreg.gather [hbm4b:s2+s3], $0x80, v3, vm0, $0xb8;
	[tilespmem:$0x18100] =	vst v63  }
0xf2: {  	s15 =	simm.s32 $0x8100  }
0xf3: {  	[tilespmem:s15], [sflag:$0x1] =	stream.indirect_vreg.gather [hbm4b:s5+s3], $0x80, v3, vm0, $0xb8;
	[tilespmem:$0x18100] =	vst v63  }
0xf4: {  	s15 =	simm.s32 $0x8900  }
0xf5: {  	[tilespmem:s15], [sflag:$0x1] =	stream.indirect_vreg.gather [hbm4b:s6+s3], $0x80, v3, vm0, $0xb8;
	[tilespmem:$0x18100] =	vst v63  }
0xf6: {  	v3 =	vld [tilespmem:$0xB0];
	_ =	sdelay $0x4  }
0xf7: {  	v59 =	vshrl.u32 v3, $0x3  }
0xf8: {  	v4 =	vmul.u32 $0x30, v59  }
0xf9: {  	v3 =	vand.u32 $0x7, v3  }
0xfa: {  	v3 =	vor.u32 v3, v4  }
0xfb: {  	v4 =	vperm.xlane v3, v0;
	_ =	sdelay $0x1  }
0xfc: {  	v4 =	vadd.s32 v1, v4;
	_ =	sdelay $0x3  }
0xfd: {  	v3 =	vperm.xlane v3, v2  }
0xfe: {  	[tilespmem:s11], [sflag:$0x1] =	stream.indirect_vreg.gather [hbm4b:s2+s3], $0x80, v4, vm0, $0xb8;
	[tilespmem:$0x18100] =	vst v63  }
0xff: {  	v3 =	vadd.s32 v1, v3  }
0x100: {  	[tilespmem:s8], [sflag:$0x1] =	stream.indirect_vreg.gather [hbm4b:s5+s3], $0x80, v4, vm0, $0xb8;
	[tilespmem:$0x18100] =	vst v63  }
0x101: {  	_ = 	snop  }
0x102: {  	[tilespmem:s9], [sflag:$0x1] =	stream.indirect_vreg.gather [hbm4b:s6+s3], $0x80, v4, vm0, $0xb8;
	[tilespmem:$0x18100] =	vst v63  }
0x103: {  	_ = 	snop  }
0x104: {  	[tilespmem:s4], [sflag:$0x1] =	stream.indirect_vreg.gather [hbm4b:s2+s3], $0x80, v3, vm0, $0xb8;
	[tilespmem:$0x18100] =	vst v63  }
0x105: {  	s15 =	simm.s32 $0xB100  }
0x106: {  	[tilespmem:s15], [sflag:$0x1] =	stream.indirect_vreg.gather [hbm4b:s5+s3], $0x80, v3, vm0, $0xb8;
	[tilespmem:$0x18100] =	vst v63  }
0x107: {  	s15 =	simm.s32 $0xB900  }
0x108: {  	[tilespmem:s15], [sflag:$0x1] =	stream.indirect_vreg.gather [hbm4b:s6+s3], $0x80, v3, vm0, $0xb8;
	[tilespmem:$0x18100] =	vst v63  }
0x109: {  	_ =	swait.ge [sflag:s0], $0xC000  }
0x10a: {  	[sflag:s0] =	ssyncset.done $0x0  }
0x10b: {  	s4 =	rddreg [dreg:$0x6];
	[sflag:s0] =	ssyncadd.s32 $0xFFFF4000  }
0x10c: {  	[hbm4b:s4+s3] =	stream.linear.scatter [tilespmem:s10], [sflag:$0x3], $0xC000, $0x38;
	[tilespmem:$0x18100] =	vst v63  }
0x10d: {  	_ =	swait.ge [sflag:s14], $0xC000  }
0x10e: {  	[sflag:s14] =	ssyncset.done $0x0  }
0x10f: {  	[sflag:s14] =	ssyncadd.s32 $0xFFFF4000  }
0x110: {  	v3 =	vld [tilespmem:$0xC0];
	_ =	sdelay $0x4  }
0x111: {  	v60 =	vshrl.u32 v3, $0x3  }
0x112: {  	v4 =	vmul.u32 $0x30, v60  }
0x113: {  	v3 =	vand.u32 $0x7, v3  }
0x114: {  	v3 =	vor.u32 v3, v4  }
0x115: {  	v4 =	vperm.xlane v3, v0;
	_ =	sdelay $0x1  }
0x116: {  	v4 =	vadd.s32 v1, v4;
	_ =	sdelay $0x3  }
0x117: {  	v3 =	vperm.xlane v3, v2  }
0x118: {  	[tilespmem:s1], [sflag:$0x2] =	stream.indirect_vreg.gather [hbm4b:s2+s3], $0x80, v4, vm0, $0xb8;
	[tilespmem:$0x18100] =	vst v63  }
0x119: {  	s15 =	simm.s32 $0xC900;
	v3 =	vadd.s32 v1, v3  }
0x11a: {  	[tilespmem:s15], [sflag:$0x2] =	stream.indirect_vreg.gather [hbm4b:s5+s3], $0x80, v4, vm0, $0xb8;
	[tilespmem:$0x18100] =	vst v63  }
0x11b: {  	s4 =	simm.s32 $0xD100  }
0x11c: {  	[tilespmem:s4], [sflag:$0x2] =	stream.indirect_vreg.gather [hbm4b:s6+s3], $0x80, v4, vm0, $0xb8;
	[tilespmem:$0x18100] =	vst v63  }
0x11d: {  	s15 =	simm.s32 $0xD900  }
0x11e: {  	[tilespmem:s15], [sflag:$0x2] =	stream.indirect_vreg.gather [hbm4b:s2+s3], $0x80, v3, vm0, $0xb8;
	[tilespmem:$0x18100] =	vst v63  }
0x11f: {  	s4 =	simm.s32 $0xE100  }
0x120: {  	[tilespmem:s4], [sflag:$0x2] =	stream.indirect_vreg.gather [hbm4b:s5+s3], $0x80, v3, vm0, $0xb8;
	[tilespmem:$0x18100] =	vst v63  }
0x121: {  	s15 =	simm.s32 $0xE900  }
0x122: {  	[tilespmem:s15], [sflag:$0x2] =	stream.indirect_vreg.gather [hbm4b:s6+s3], $0x80, v3, vm0, $0xb8;
	[tilespmem:$0x18100] =	vst v63  }
0x123: {  	v3 =	vld [tilespmem:$0xD0];
	_ =	sdelay $0x4  }
0x124: {  	v61 =	vshrl.u32 v3, $0x3  }
0x125: {  	v4 =	vmul.u32 $0x30, v61  }
0x126: {  	v3 =	vand.u32 $0x7, v3  }
0x127: {  	v3 =	vor.u32 v3, v4  }
0x128: {  	v4 =	vperm.xlane v3, v0;
	_ =	sdelay $0x1  }
0x129: {  	v4 =	vadd.s32 v1, v4;
	_ =	sdelay $0x3  }
0x12a: {  	s4 =	simm.s32 $0xF100;
	v3 =	vperm.xlane v3, v2  }
0x12b: {  	[tilespmem:s4], [sflag:$0x2] =	stream.indirect_vreg.gather [hbm4b:s2+s3], $0x80, v4, vm0, $0xb8;
	[tilespmem:$0x18100] =	vst v63  }
0x12c: {  	s15 =	simm.s32 $0xF900;
	v3 =	vadd.s32 v1, v3  }
0x12d: {  	[tilespmem:s15], [sflag:$0x2] =	stream.indirect_vreg.gather [hbm4b:s5+s3], $0x80, v4, vm0, $0xb8;
	[tilespmem:$0x18100] =	vst v63  }
0x12e: {  	s4 =	simm.s32 $0x10100  }
0x12f: {  	[tilespmem:s4], [sflag:$0x2] =	stream.indirect_vreg.gather [hbm4b:s6+s3], $0x80, v4, vm0, $0xb8;
	[tilespmem:$0x18100] =	vst v63  }
0x130: {  	s15 =	simm.s32 $0x10900  }
0x131: {  	[tilespmem:s15], [sflag:$0x2] =	stream.indirect_vreg.gather [hbm4b:s2+s3], $0x80, v3, vm0, $0xb8;
	[tilespmem:$0x18100] =	vst v63  }
0x132: {  	s4 =	simm.s32 $0x11100  }
0x133: {  	[tilespmem:s4], [sflag:$0x2] =	stream.indirect_vreg.gather [hbm4b:s5+s3], $0x80, v3, vm0, $0xb8;
	[tilespmem:$0x18100] =	vst v63  }
0x134: {  	s15 =	simm.s32 $0x11900  }
0x135: {  	[tilespmem:s15], [sflag:$0x2] =	stream.indirect_vreg.gather [hbm4b:s6+s3], $0x80, v3, vm0, $0xb8;
	[tilespmem:$0x18100] =	vst v63  }
0x136: {  	v3 =	vld [tilespmem:$0xE0];
	_ =	sdelay $0x4  }
0x137: {  	v62 =	vshrl.u32 v3, $0x3  }
0x138: {  	v4 =	vmul.u32 $0x30, v62  }
0x139: {  	v3 =	vand.u32 $0x7, v3  }
0x13a: {  	v3 =	vor.u32 v3, v4  }
0x13b: {  	v4 =	vperm.xlane v3, v0;
	_ =	sdelay $0x1  }
0x13c: {  	v4 =	vadd.s32 v1, v4;
	_ =	sdelay $0x3  }
0x13d: {  	s4 =	simm.s32 $0x12100;
	v3 =	vperm.xlane v3, v2  }
0x13e: {  	[tilespmem:s4], [sflag:$0x2] =	stream.indirect_vreg.gather [hbm4b:s2+s3], $0x80, v4, vm0, $0xb8;
	[tilespmem:$0x18100] =	vst v63  }
0x13f: {  	s15 =	simm.s32 $0x12900;
	v3 =	vadd.s32 v1, v3  }
0x140: {  	[tilespmem:s15], [sflag:$0x2] =	stream.indirect_vreg.gather [hbm4b:s5+s3], $0x80, v4, vm0, $0xb8;
	[tilespmem:$0x18100] =	vst v63  }
0x141: {  	s4 =	simm.s32 $0x13100  }
0x142: {  	[tilespmem:s4], [sflag:$0x2] =	stream.indirect_vreg.gather [hbm4b:s6+s3], $0x80, v4, vm0, $0xb8;
	[tilespmem:$0x18100] =	vst v63  }
0x143: {  	s15 =	simm.s32 $0x13900  }
0x144: {  	[tilespmem:s15], [sflag:$0x2] =	stream.indirect_vreg.gather [hbm4b:s2+s3], $0x80, v3, vm0, $0xb8;
	[tilespmem:$0x18100] =	vst v63  }
0x145: {  	s4 =	simm.s32 $0x14100  }
0x146: {  	[tilespmem:s4], [sflag:$0x2] =	stream.indirect_vreg.gather [hbm4b:s5+s3], $0x80, v3, vm0, $0xb8;
	[tilespmem:$0x18100] =	vst v63  }
0x147: {  	s15 =	simm.s32 $0x14900  }
0x148: {  	[tilespmem:s15], [sflag:$0x2] =	stream.indirect_vreg.gather [hbm4b:s6+s3], $0x80, v3, vm0, $0xb8;
	[tilespmem:$0x18100] =	vst v63  }
0x149: {  	v3 =	vld [tilespmem:$0xF0];
	_ =	sdelay $0x4  }
0x14a: {  	v63 =	vshrl.u32 v3, $0x3  }
0x14b: {  	v4 =	vmul.u32 $0x30, v63  }
0x14c: {  	v3 =	vand.u32 $0x7, v3  }
0x14d: {  	v3 =	vor.u32 v3, v4  }
0x14e: {  	v4 =	vperm.xlane v3, v0;
	_ =	sdelay $0x1  }
0x14f: {  	v4 =	vadd.s32 v1, v4;
	_ =	sdelay $0x3  }
0x150: {  	s4 =	simm.s32 $0x15100;
	v3 =	vperm.xlane v3, v2  }
0x151: {  	[tilespmem:s4], [sflag:$0x2] =	stream.indirect_vreg.gather [hbm4b:s2+s3], $0x80, v4, vm0, $0xb8;
	[tilespmem:$0x18100] =	vst v63  }
0x152: {  	s15 =	simm.s32 $0x15900;
	v3 =	vadd.s32 v1, v3  }
0x153: {  	[tilespmem:s15], [sflag:$0x2] =	stream.indirect_vreg.gather [hbm4b:s5+s3], $0x80, v4, vm0, $0xb8;
	[tilespmem:$0x18100] =	vst v63  }
0x154: {  	s4 =	simm.s32 $0x16100  }
0x155: {  	[tilespmem:s4], [sflag:$0x2] =	stream.indirect_vreg.gather [hbm4b:s6+s3], $0x80, v4, vm0, $0xb8;
	[tilespmem:$0x18100] =	vst v63  }
0x156: {  	s15 =	simm.s32 $0x16900  }
0x157: {  	[tilespmem:s15], [sflag:$0x2] =	stream.indirect_vreg.gather [hbm4b:s2+s3], $0x80, v3, vm0, $0xb8;
	[tilespmem:$0x18100] =	vst v63  }
0x158: {  	s4 =	simm.s32 $0x17100  }
0x159: {  	[tilespmem:s4], [sflag:$0x2] =	stream.indirect_vreg.gather [hbm4b:s5+s3], $0x80, v3, vm0, $0xb8;
	[tilespmem:$0x18100] =	vst v63  }
0x15a: {  	s15 =	simm.s32 $0x17900  }
0x15b: {  	[tilespmem:s15], [sflag:$0x2] =	stream.indirect_vreg.gather [hbm4b:s6+s3], $0x80, v3, vm0, $0xb8;
	[tilespmem:$0x18100] =	vst v63  }
0x15c: {  	_ =	swait.ge [sflag:s12], $0xC000  }
0x15d: {  	[sflag:s12] =	ssyncset.done $0x0  }
0x15e: {  	s4 =	rddreg [dreg:$0x7];
	[sflag:s12] =	ssyncadd.s32 $0xFFFF4000  }
0x15f: {  	[hbm4b:s4+s3] =	stream.linear.scatter [tilespmem:s1], [sflag:$0x4], $0xC000, $0x38;
	[tilespmem:$0x18100] =	vst v63  }
0x160: {  	p0 =	sne.s32 s7, $0x1;
	_ =	swait.ge [sflag:s13], $0xC000  }
.Ltmp0:
0x161: {  	[sflag:s13] =	ssyncset.done $0x0;
	(pc) =	sbr.rel @p0 .LBB2_1-.Ltmp0, $4  }
0x162: {  	[sflag:s13] =	ssyncadd.s32 $0xFFFF4000  }
0x163: {  	_ =	swait.ge [sflag:s14], $0xC000  }
0x164: {  	[sflag:s14] =	ssyncset.done $0x0  }
0x165: {  	s7 =	sadd.s32 $0xFFFFFFFF, s7;
	[sflag:s14] =	ssyncadd.s32 $0xFFFF4000  }
0x166: {  	_ =	sfence.sel $0x180000  }
0x167: {  	[bflag:$0x0] =	sbarrier.arrive $0xFFFF  }
0x168: {  	_ =	strace $0x90000047  }
0x169: {  	s0 =	stileid.u32;
	[bflag:$0x2] =	sbarrier.arrive $0xFFFF  }
0x16a: {  	p0 =	sne.s32 s0, $0x0;
	s0 =	rddreg [dreg:$0x3]  }
0x16b: {  	s0 =	sadd.s32 @!p0 $0x100000, s0  }
0x16c: {  	[sflag:s0] =	ssyncadd.tile.s32 @!p0 $0x1;
	_ =	shalt  }
.Lfunc_end2:
_tile_overlayer_lowered:
.L_overlay_start_2:
0x16d: {  	(tag) =	ssettag $0x2  }
0x16e: {  	s0 =	rddreg [dreg:$0x0];
	s2 =	stileid.u32  }
0x16f: {  	s1 =	rddreg [dreg:$0x1];
	p0 =	sne.s32 s2, $0x0  }
0x170: {  	s3 =	rddreg [dreg:$0x2];
	[bflag:$0x3] =	sbarrier.arrive $0xFFFF;
	s2 =	simm.s32 @!p0 $0x1C05  }
0x171: {  	[timem:s3], [sflag:s2] =	dma.local @!p0 [hbm:s0], s1  }
0x172: {  	s0 =	simm.s32 @!p0 $0x5  }
0x173: {  	_ =	swait.ge @!p0 [sflag:s0], s1  }
0x174: {  	s1 =	ssub.s32 @!p0 $0x0, s1;
	[sflag:s0] =	ssyncset.done @!p0 $0x0  }
0x175: {  	[sflag:s0] =	ssyncadd.s32 @!p0 s1  }
0x176: {  	[bflag:$0x3] =	sbarrier.arrive $0xFFFF  }
0x177: {  	_ =	shalt  }

// kernel: kernel.9.cloned.1.call-start
scs
__scs_entry_jumppad:
0x0: {  	(pc) =	sbr.rel $0x88, $3  }
0x1: {  	(tag) =	ssettag $0x0;
	lr =	simm.s32 $0x1  }
0x2: {  	[smem:$0x3F97] =	sst lr;
	_ =	strace $0xD0000000  }
0x3: {  	_ = 	snop  }
0x4: {  	_ = 	snop  }
0x5: {  	_ = 	snop  }
0x6: {  	_ = 	snop  }
0x7: {  	_ = 	snop  }
__scs_overlays_trampoline_lowered:
0x8: {  	[smem:$0x3FA6] =	sst s0  }
0x9: {  	[smem:$0x3FA7] =	sst s1  }
0xa: {  	[smem:$0x3FA8] =	sst s2  }
0xb: {  	[smem:$0x3FA9] =	sst s3  }
0xc: {  	[smem:$0x3FAA] =	sst s4  }
0xd: {  	[smem:$0x3FAB] =	sst s5  }
0xe: {  	[smem:$0x3FAC] =	sst s6  }
0xf: {  	[smem:$0x3FAD] =	sst s7  }
0x10: {  	[smem:$0x3FAE] =	sst s8  }
0x11: {  	[smem:$0x3FAF] =	sst s9;
	s0 =	simm.s32 @!p0 $0x0  }
0x12: {  	s1 =	sld [smem:$0x3F95];
	s0 =	simm.s32 @p0 $0x1  }
0x13: {  	[smem:$0x3FB0] =	sst s0;
	s0 =	simm.s32 @!p1 $0x0  }
0x14: {  	s2 =	sld [smem:$0x3F94];
	s0 =	simm.s32 @p1 $0x1  }
0x15: {  	[smem:$0x3FB1] =	sst s0;
	s0 =	simm.s32 @!p2 $0x0  }
0x16: {  	s3 =	sld [smem:$0x3FDB];
	s0 =	simm.s32 @p2 $0x1  }
0x17: {  	s4 =	simm.s32 $0x1BF5;
	[smem:$0x3FB3] =	sst s0  }
0x18: {  	s0 =	sld [smem:$0x3F96];
	_ =	swait.ge [sflag:s4], $0x0  }
0x19: {  	s7 =	sld [smem:$0x3F97]  }
0x1a: {  	s8 =	sadd.s32 $0xFFFFE003, lr  }
0x1b: {  	s9 =	sadd.s32 $0xFFFFFEF7, lr;
	s5 =	simm.s32 $0xFFFFFFFF;
	p2 =	slt.u32 s8, $0xFFFFF086  }
0x1c: {  	p1 =	slt.u32 s9, $0xF7A;
	s5 =	simm.s32 @!p2 $0x0  }
0x1d: {  	s5 =	simm.s32 @p1 $0x1;
	p0 =	seq.s32 s7, s2  }
0x1e: {  	s7 =	smul.u32 @!p0 $0xF7A, s2;
	p2 =	seq.s32 @!p0 s5, $0x0  }
0x1f: {  	s9 =	smul.u32 $0xF7A, s1;
	s8 =	simm.s32 @!p0 $0x1BF5;
	p2 =	por !p2, p0  }
0x20: {  	[sflag:s8] =	ssyncset.s32 @!p0 $0xFFFFF086;
	s6 =	sadd.s32 @!p0 s3, s7;
	s7 =	simm.s32 @!p0 $0x108  }
0x21: {  	s3 =	sadd.s32 s3, s9;
	s6 =	sadd.s32 @!p0 $0x88, s6;
	s7 =	simm.s32 @p2 $0x1082  }
0x22: {  	[simem:s7], [sflag:s8] =	dma.local @!p0 [hbm:s6], $0xF7A  }
0x23: {  	s9 =	sor.u32 $0xD0000000, s2;
	s6 =	simm.s32 $0x108;
	_ =	swait.ge @!p0 [sflag:s8], $0x0  }
0x24: {  	s3 =	sadd.s32 $0x88, s3;
	s6 =	simm.s32 @!p1 $0x1082;
	[sflag:s4] =	ssyncset.s32 $0xFFFFF086  }
0x25: {  	[simem:s6], [sflag:s4] =	dma.local [hbm:s3], $0xF7A  }
0x26: {  	[smem:$0x3F97] =	sst s1;
	(tag) =	ssettag s2;
	_ =	strace s9  }
0x27: {  	s1 =	sld [smem:$0x3FA7]  }
0x28: {  	s2 =	sld [smem:$0x3FA8]  }
0x29: {  	s4 =	sld [smem:$0x3FAA]  }
0x2a: {  	p0 =	seq.s32 s5, $0x0;
	s5 =	sld [smem:$0x3FAB]  }
0x2b: {  	s6 =	sld [smem:$0x3FAC]  }
0x2c: {  	s7 =	sld [smem:$0x3FAD]  }
0x2d: {  	s3 =	simm.s32 $0x108;
	s8 =	sld [smem:$0x3FAE]  }
0x2e: {  	s3 =	simm.s32 @!p0 $0x1082;
	s9 =	sld [smem:$0x3FAF]  }
0x2f: {  	lr =	sadd.s32 s0, s3;
	s0 =	sld [smem:$0x3FA6]  }
0x30: {  	s3 =	sld [smem:$0x3FA9]  }
0x31: {  	[smem:$0x3FB2] =	sst s10  }
0x32: {  	s10 =	sld [smem:$0x3FB0];
	_ =	sdelay $0x3  }
0x33: {  	p0 =	seq.s32 s10, $0x1;
	s10 =	sld [smem:$0x3FB2];
	_ =	sdelay $0x3  }
0x34: {  	[smem:$0x3FB2] =	sst s10  }
0x35: {  	s10 =	sld [smem:$0x3FB1];
	_ =	sdelay $0x3  }
0x36: {  	p1 =	seq.s32 s10, $0x1;
	s10 =	sld [smem:$0x3FB2];
	_ =	sdelay $0x3  }
0x37: {  	[smem:$0x3FB2] =	sst s10  }
0x38: {  	s10 =	sld [smem:$0x3FB3]  }
0x39: {  	_ = 	snop;
	(pc) =	sbr.ind lr, $3  }
0x3a: {  	_ = 	snop  }
0x3b: {  	_ = 	snop  }
0x3c: {  	p2 =	seq.s32 s10, $0x1;
	s10 =	sld [smem:$0x3FB2]  }
0x3d: {  	_ =	shalt  }
0x3e: {  	_ =	shalt  }
0x3f: {  	_ =	shalt  }
0x40: {  	_ =	shalt  }
0x41: {  	_ =	shalt  }
0x42: {  	_ =	shalt  }
0x43: {  	_ =	shalt  }
0x44: {  	_ =	shalt  }
0x45: {  	_ =	shalt  }
0x46: {  	_ =	shalt  }
0x47: {  	_ =	shalt  }
0x48: {  	_ =	shalt  }
0x49: {  	_ =	shalt  }
0x4a: {  	_ =	shalt  }
0x4b: {  	_ =	shalt  }
0x4c: {  	_ =	shalt  }
0x4d: {  	_ =	shalt  }
0x4e: {  	_ =	shalt  }
0x4f: {  	_ =	shalt  }
0x50: {  	_ =	shalt  }
0x51: {  	_ =	shalt  }
0x52: {  	_ =	shalt  }
0x53: {  	_ =	shalt  }
0x54: {  	_ =	shalt  }
0x55: {  	_ =	shalt  }
0x56: {  	_ =	shalt  }
0x57: {  	_ =	shalt  }
0x58: {  	_ =	shalt  }
0x59: {  	_ =	shalt  }
0x5a: {  	_ =	shalt  }
0x5b: {  	_ =	shalt  }
0x5c: {  	_ =	shalt  }
0x5d: {  	_ =	shalt  }
0x5e: {  	_ =	shalt  }
0x5f: {  	_ =	shalt  }
0x60: {  	_ =	shalt  }
0x61: {  	_ =	shalt  }
0x62: {  	_ =	shalt  }
0x63: {  	_ =	shalt  }
0x64: {  	_ =	shalt  }
0x65: {  	_ =	shalt  }
0x66: {  	_ =	shalt  }
0x67: {  	_ =	shalt  }
0x68: {  	_ =	shalt  }
0x69: {  	_ =	shalt  }
0x6a: {  	_ =	shalt  }
0x6b: {  	_ =	shalt  }
0x6c: {  	_ =	shalt  }
0x6d: {  	_ =	shalt  }
0x6e: {  	_ =	shalt  }
0x6f: {  	_ =	shalt  }
0x70: {  	_ =	shalt  }
0x71: {  	_ =	shalt  }
0x72: {  	_ =	shalt  }
0x73: {  	_ =	shalt  }
0x74: {  	_ =	shalt  }
0x75: {  	_ =	shalt  }
0x76: {  	_ =	shalt  }
0x77: {  	_ =	shalt  }
0x78: {  	_ =	shalt  }
0x79: {  	_ =	shalt  }
0x7a: {  	_ =	shalt  }
0x7b: {  	_ =	shalt  }
0x7c: {  	_ =	shalt  }
0x7d: {  	_ =	shalt  }
0x7e: {  	_ =	shalt  }
0x7f: {  	_ =	shalt  }
0x80: {  	_ =	shalt  }
0x81: {  	_ =	shalt  }
0x82: {  	_ =	shalt  }
0x83: {  	_ =	shalt  }
0x84: {  	_ =	shalt  }
0x85: {  	_ =	shalt  }
0x86: {  	_ =	shalt  }
0x87: {  	_ =	shalt  }
.Lfunc_end0:
.L_simem_size_0:
called_computation.1_lowered:
.L_overlay_start_0:
0x88: {  	s2 =	sld [smem:$0x3FD9]  }
0x89: {  	s3 =	sld [smem:$0x3FFE];
	_ =	sdelay $0x1  }
0x8a: {  	s1 =	srdreg.scid  }
0x8b: {  	s0 =	sand.u32 $0x1, s1  }
0x8c: {  	s17 =	sshll.u32 s0, $0xA;
	s2 =	sadd.s32 s3, s2  }
0x8d: {  	s2 =	sadd.s32 s2, s17  }
0x8e: {  	[smem:$0x3FBE] =	sst s2  }
0x8f: {  	_ = 	snop  }
0x90: {  	s18 =	sld [smem:$0x3FC5];
	(tm) =	ssettm $0x1  }
0x91: {  	s19 =	sld [smem:$0x3FFB];
	_ =	sdelay $0x3  }
0x92: {  	_ =	strace s19  }
0x93: {  	s2 =	sld [smem:$0x3FFC];
	_ =	sdelay $0x3  }
0x94: {  	_ =	strace s2  }
0x95: {  	s2 =	sld [smem:$0x3FFD];
	_ =	sdelay $0x3  }
0x96: {  	_ =	strace s2  }
0x97: {  	_ =	strace $0x8FFFFFFF  }
0x98: {  	s20 =	sld [smem:$0x3FDB];
	_ =	sdelay $0x1  }
0x99: {  	s4 =	simm.s32 $_scs_section_size  }
0x9a: {  	s5 =	simm.s32 $_size__tile_overlayer_lowered;
	s6 =	simm.s32 $_tile_overlayer_lowered  }
0x9b: {  	s7 =	simm.s32 $0x1BFF;
	s21 =	sshll.u32 s6, $0x1;
	s4 =	sadd.s32 s4, s20  }
0x9c: {  	s22 =	simm.s32 $0x0;
	s5 =	sshll.u32 s5, $0x1;
	s6 =	sadd.s32 s21, s4  }
0x9d: {  	[timem:s22], [sflag:s7] =	dma.local [hbm:s6], s5  }
0x9e: {  	_ =	swait.ge [sflag:s7], s5  }
0x9f: {  	s5 =	ssub.s32 $0x0, s5;
	[sflag:s7] =	ssyncset.done $0x0  }
0xa0: {  	[sflag:s7] =	ssyncadd.s32 s5;
	_ =	sdelay $0x1  }
0xa1: {  	s23 =	simm.s32 $0x1B8B  }
0xa2: {  	_ =	swait.ge [sflag:s23], $0x1  }
0xa3: {  	[sflag:s23] =	ssyncset.done $0x0  }
0xa4: {  	[sflag:s23] =	ssyncadd.s32 $0xFFFFFFFF  }
0xa5: {  	s5 =	sld [smem:$0x0]  }
0xa6: {  	s6 =	sand.u32 $0xFFFFFFFE, s1  }
0xa7: {  	p0 =	sne.s32 s1, s6  }
0xa8: {  	s6 =	sshll.u32 @p0 s6, $0xE  }
0xa9: {  	s6 =	sadd.s32 @p0 $0x11B8D, s6;
	s7 =	sshll.u32 @p0 s5, $0x11  }
0xaa: {  	s6 =	sor.u32 @p0 s7, s6  }
0xab: {  	[sflag:s6] =	ssyncadd.remote.s32 @p0 $0x1;
	_ =	sdelay $0x1  }
0xac: {  	s6 =	simm.s32 @p0 $0x1B8D  }
0xad: {  	_ =	swait.eq @p0 [sflag:s6], $0x1  }
0xae: {  	[sflag:s6] =	ssyncadd.s32 @p0 $0xFFFFFFFF  }
0xaf: {  	s7 =	sshll.u32 @!p0 s1, $0xE  }
0xb0: {  	s7 =	sor.u32 @!p0 $0x4000, s7;
	s6 =	simm.s32 @!p0 $0x1B8D  }
0xb1: {  	s5 =	sshll.u32 @!p0 s5, $0x11;
	s7 =	sadd.s32 @!p0 $0x11B8D, s7;
	_ =	swait.eq @!p0 [sflag:s6], $0x1  }
0xb2: {  	s5 =	sor.u32 @!p0 s5, s7;
	[sflag:s6] =	ssyncadd.s32 @!p0 $0xFFFFFFFF  }
0xb3: {  	s25 =	simm.s32 $0x1B8E;
	s24 =	sld [smem:$0x3FFE];
	[sflag:s5] =	ssyncadd.remote.s32 @!p0 $0x1  }
0xb4: {  	s26 =	simm.s32 $execute0_lowered;
	[smem:$0x3FD2] =	sst s25  }
0xb5: {  	s6 =	sshll.u32 s26, $0x1;
	_ =	strace $0x80000049;
	[dreg:$0x1] =	wrdreg $0xFFFFFFFF  }
0xb6: {  	s28 =	simm.s32 $_size_execute0_lowered;
	s4 =	sadd.s32 s4, s6;
	[dreg:$0x0] =	wrdreg $0x0  }
0xb7: {  	s6 =	sshll.u32 s28, $0x1;
	[dreg:$0x2] =	wrdreg s4  }
0xb8: {  	[dreg:$0x3] =	wrdreg s6  }
0xb9: {  	[dreg:$0x4] =	wrdreg $0xC0  }
0xba: {  	_ =	task [dreg:s22], $0x5FFFF  }
0xbb: {  	[dreg:$0x1] =	wrdreg $0xFFFFFFFF  }
0xbc: {  	[dreg:$0x0] =	wrdreg $0x60  }
0xbd: {  	[dreg:$0x2] =	wrdreg s24  }
0xbe: {  	[dreg:$0x3] =	wrdreg s18  }
0xbf: {  	[dreg:$0x4] =	wrdreg $0xA  }
0xc0: {  	_ =	task.clear_ibuf [dreg:s22], $0x5FFFF;
	_ =	strace $0x90000049  }
0xc1: {  	s29 =	simm.s32 $0xA;
	_ =	strace $0x8000004B  }
0xc2: {  	_ =	swait.ge [sflag:s29], $0x1  }
0xc3: {  	[sflag:s29] =	ssyncadd.s32 $0xFFFFFFFF  }
0xc4: {  	_ =	strace $0x9000004B  }
0xc5: {  	_ =	sfence  }
0xc6: {  	s30 =	sld [smem:$0x0];
	_ =	sdelay $0x2  }
0xc7: {  	s31 =	sshll.u32 s1, $0xD;
	s1 =	sshrl.u32 s1, $0x2  }
0xc8: {  	s4 =	sand.u32 $0x4000, s31;
	s1 =	sadd.s32 s1, s30  }
0xc9: {  	s0 =	sor.u32 s4, s0;
	s1 =	sshll.u32 s1, $0x11  }
0xca: {  	s0 =	sor.u32 s1, s0  }
0xcb: {  	s0 =	sadd.s32 $0x8F2B, s0  }
0xcc: {  	[sflag:s0] =	ssyncadd.remote.s32 $0x1  }
0xcd: {  	_ =	sfence.sel $0xFFFF  }
0xce: {  	[dreg:$0x0] =	wrdreg $0xFFFFFFFF;
	(pc) =	sbr.abs _section_cstart, $3  }
0xcf: {  	[dreg:$0x1] =	wrdreg $0xFFFFFFFF  }
0xd0: {  	_ =	task.clear_ibuf [dreg:s22], $0x2FFFF;
	_ =	strace $0x9FFFFFFF  }
0xd1: {  	(tm) =	ssettm $0x7FFFFFFF  }
tec
execute0_lowered:
.L_overlay_start_1:
0x0: {  	(tag) =	ssettag $0x1  }
0x1: {  	s0 =	srdreg.scid;
	s1 =	rddreg [dreg:$0x0]  }
0x2: {  	s3 =	stileid.u32;
	s2 =	rddreg [dreg:$0x1];
	s12 =	simm.s32 $0x2  }
0x3: {  	s13 =	simm.s32 $0x3;
	s14 =	simm.s32 $0x4;
	s10 =	simm.s32 $0x100  }
0x4: {  	s16 =	simm.s32 $0x900;
	s17 =	simm.s32 $0x1100;
	s18 =	simm.s32 $0x1900  }
0x5: {  	s19 =	simm.s32 $0x2100;
	s20 =	simm.s32 $0x2900;
	s21 =	simm.s32 $0x3100  }
0x6: {  	s22 =	simm.s32 $0x3900;
	s28 =	simm.s32 $0x6100;
	s29 =	simm.s32 $0x6900  }
0x7: {  	s30 =	simm.s32 $0x7100;
	s31 =	simm.s32 $0x7900;
	s11 =	simm.s32 $0x9100  }
0x8: {  	s8 =	simm.s32 $0x9900;
	s9 =	simm.s32 $0xA100;
	s0 =	sand.u32 $0x1, s0  }
0x9: {  	s4 =	sshll.u32 s3, $0x6;
	s3 =	simm.s32 $0x0;
	s5 =	sshll.u32 s0, $0x5  }
0xa: {  	[smem:$0x7FF] =	sst s3;
	s0 =	ssub.s32 $0x2, s0;
	s4 =	sor.u32 s5, s4  }
0xb: {  	_ =	strace $0x8000004A;
	s25 =	sshrl.u32 s0, $0x1;
	s5 =	smul.u32 $0x300, s4  }
0xc: {  	s6 =	smul.u32 $0x1800, s4;
	s4 =	sadd.s32 s4, s1;
	s1 =	sadd.s32 $0xC2600, s1  }
0xd: {  	s0 =	ssub.s32 s0, s25;
	s25 =	simm.s32 $0x5100;
	s4 =	sadd.s32 $0x2200, s4  }
0xe: {  	s7 =	sadd.s32 s1, s5;
	s23 =	sshrl.u32 s6, $0x3;
	[dreg:$0x3] =	wrdreg s4  }
0xf: {  	s5 =	sadd.s32 $0x100, s2;
	s6 =	sadd.s32 $0x200, s2;
	[dreg:$0x7] =	wrdreg s7  }
0x10: {  	s24 =	sadd.s32 $0x1800, s7;
	s1 =	sadd.s32 s1, s23;
	s7 =	smax.u32 s0, $0x1  }
0x11: {  	v2 =	vlaneseq.u32;
	s23 =	simm.s32 $0x4100;
	[dreg:$0x4] =	wrdreg s24;
	s26 =	sadd.s32 $0x3000, s1  }
0x12: {  	vm0 =	vmmov $0xffff;
	v1 =	vshrl.u32 v2, $0x3;
	s1 =	sadd.s32 $0x4800, s1;
	s24 =	simm.s32 $0x4900;
	[dreg:$0x5] =	wrdreg s26  }
0x13: {  	v0 =	vand.u32 $0x7, v2;
	v2 =	vor.u32 $0x8, v2;
	v1 =	vmul.u32 $0x8, v1;
	[dreg:$0x6] =	wrdreg s1;
	s26 =	simm.s32 $0x5900;
	s1 =	simm.s32 $0xC100  }
.LBB2_1:
0x14: {  	s15 =	rddreg [dreg:$0x3];
	s0 =	simm.s32 $0x5  }
0x15: {  	[tilespmem:s3], [sflag:$0x5] =	stream.linear.gather [hbm4b:s15+s3], $0x100, $0x38;
	[tilespmem:$0x18100] =	vst v63  }
0x16: {  	_ =	swait.ge [sflag:s0], $0x100  }
0x17: {  	[sflag:s0] =	ssyncset.done $0x0  }
0x18: {  	[sflag:s0] =	ssyncadd.s32 $0xFFFFFF00  }
0x19: {  	v3 =	vld [tilespmem:$0x0];
	_ =	sdelay $0x4  }
0x1a: {  	v4 =	vshrl.u32 v3, $0x3  }
0x1b: {  	v4 =	vmul.u32 $0x30, v4  }
0x1c: {  	v3 =	vand.u32 $0x7, v3  }
0x1d: {  	v3 =	vor.u32 v3, v4  }
0x1e: {  	v4 =	vperm.xlane v3, v0;
	_ =	sdelay $0x1  }
0x1f: {  	v4 =	vadd.s32 v1, v4;
	_ =	sdelay $0x3  }
0x20: {  	v3 =	vperm.xlane v3, v2  }
0x21: {  	[tilespmem:s10], [sflag:$0x1] =	stream.indirect_vreg.gather [hbm4b:s2+s3], $0x80, v4, vm0, $0xb8;
	[tilespmem:$0x18100] =	vst v63  }
0x22: {  	v3 =	vadd.s32 v1, v3  }
0x23: {  	[tilespmem:s16], [sflag:$0x1] =	stream.indirect_vreg.gather [hbm4b:s5+s3], $0x80, v4, vm0, $0xb8;
	[tilespmem:$0x18100] =	vst v63  }
0x24: {  	_ = 	snop  }
0x25: {  	[tilespmem:s17], [sflag:$0x1] =	stream.indirect_vreg.gather [hbm4b:s6+s3], $0x80, v4, vm0, $0xb8;
	[tilespmem:$0x18100] =	vst v63  }
0x26: {  	_ = 	snop  }
0x27: {  	[tilespmem:s18], [sflag:$0x1] =	stream.indirect_vreg.gather [hbm4b:s2+s3], $0x80, v3, vm0, $0xb8;
	[tilespmem:$0x18100] =	vst v63  }
0x28: {  	_ = 	snop  }
0x29: {  	[tilespmem:s19], [sflag:$0x1] =	stream.indirect_vreg.gather [hbm4b:s5+s3], $0x80, v3, vm0, $0xb8;
	[tilespmem:$0x18100] =	vst v63  }
0x2a: {  	_ = 	snop  }
0x2b: {  	[tilespmem:s20], [sflag:$0x1] =	stream.indirect_vreg.gather [hbm4b:s6+s3], $0x80, v3, vm0, $0xb8;
	[tilespmem:$0x18100] =	vst v63  }
0x2c: {  	v3 =	vld [tilespmem:$0x10];
	_ =	sdelay $0x4  }
0x2d: {  	v49 =	vshrl.u32 v3, $0x3  }
0x2e: {  	v4 =	vmul.u32 $0x30, v49  }
0x2f: {  	v3 =	vand.u32 $0x7, v3  }
0x30: {  	v3 =	vor.u32 v3, v4  }
0x31: {  	v4 =	vperm.xlane v3, v0;
	_ =	sdelay $0x1  }
0x32: {  	v4 =	vadd.s32 v1, v4;
	_ =	sdelay $0x3  }
0x33: {  	v3 =	vperm.xlane v3, v2  }
0x34: {  	[tilespmem:s21], [sflag:$0x1] =	stream.indirect_vreg.gather [hbm4b:s2+s3], $0x80, v4, vm0, $0xb8;
	[tilespmem:$0x18100] =	vst v63  }
0x35: {  	v3 =	vadd.s32 v1, v3  }
0x36: {  	[tilespmem:s22], [sflag:$0x1] =	stream.indirect_vreg.gather [hbm4b:s5+s3], $0x80, v4, vm0, $0xb8;
	[tilespmem:$0x18100] =	vst v63  }
0x37: {  	_ = 	snop  }
0x38: {  	[tilespmem:s23], [sflag:$0x1] =	stream.indirect_vreg.gather [hbm4b:s6+s3], $0x80, v4, vm0, $0xb8;
	[tilespmem:$0x18100] =	vst v63  }
0x39: {  	_ = 	snop  }
0x3a: {  	[tilespmem:s24], [sflag:$0x1] =	stream.indirect_vreg.gather [hbm4b:s2+s3], $0x80, v3, vm0, $0xb8;
	[tilespmem:$0x18100] =	vst v63  }
0x3b: {  	_ = 	snop  }
0x3c: {  	[tilespmem:s25], [sflag:$0x1] =	stream.indirect_vreg.gather [hbm4b:s5+s3], $0x80, v3, vm0, $0xb8;
	[tilespmem:$0x18100] =	vst v63  }
0x3d: {  	_ = 	snop  }
0x3e: {  	[tilespmem:s26], [sflag:$0x1] =	stream.indirect_vreg.gather [hbm4b:s6+s3], $0x80, v3, vm0, $0xb8;
	[tilespmem:$0x18100] =	vst v63  }
0x3f: {  	v3 =	vld [tilespmem:$0x20];
	_ =	sdelay $0x4  }
0x40: {  	v50 =	vshrl.u32 v3, $0x3  }
0x41: {  	v4 =	vmul.u32 $0x30, v50  }
0x42: {  	v3 =	vand.u32 $0x7, v3  }
0x43: {  	v3 =	vor.u32 v3, v4  }
0x44: {  	v4 =	vperm.xlane v3, v0;
	_ =	sdelay $0x1  }
0x45: {  	v4 =	vadd.s32 v1, v4;
	_ =	sdelay $0x3  }
0x46: {  	v3 =	vperm.xlane v3, v2  }
0x47: {  	[tilespmem:s28], [sflag:$0x1] =	stream.indirect_vreg.gather [hbm4b:s2+s3], $0x80, v4, vm0, $0xb8;
	[tilespmem:$0x18100] =	vst v63  }
0x48: {  	v3 =	vadd.s32 v1, v3  }
0x49: {  	[tilespmem:s29], [sflag:$0x1] =	stream.indirect_vreg.gather [hbm4b:s5+s3], $0x80, v4, vm0, $0xb8;
	[tilespmem:$0x18100] =	vst v63  }
0x4a: {  	_ = 	snop  }
0x4b: {  	[tilespmem:s30], [sflag:$0x1] =	stream.indirect_vreg.gather [hbm4b:s6+s3], $0x80, v4, vm0, $0xb8;
	[tilespmem:$0x18100] =	vst v63  }
0x4c: {  	_ = 	snop  }
0x4d: {  	[tilespmem:s31], [sflag:$0x1] =	stream.indirect_vreg.gather [hbm4b:s2+s3], $0x80, v3, vm0, $0xb8;
	[tilespmem:$0x18100] =	vst v63  }
0x4e: {  	s15 =	simm.s32 $0x8100  }
0x4f: {  	[tilespmem:s15], [sflag:$0x1] =	stream.indirect_vreg.gather [hbm4b:s5+s3], $0x80, v3, vm0, $0xb8;
	[tilespmem:$0x18100] =	vst v63  }
0x50: {  	s4 =	simm.s32 $0x8900  }
0x51: {  	[tilespmem:s4], [sflag:$0x1] =	stream.indirect_vreg.gather [hbm4b:s6+s3], $0x80, v3, vm0, $0xb8;
	[tilespmem:$0x18100] =	vst v63  }
0x52: {  	v3 =	vld [tilespmem:$0x30];
	_ =	sdelay $0x4  }
0x53: {  	v51 =	vshrl.u32 v3, $0x3  }
0x54: {  	v4 =	vmul.u32 $0x30, v51  }
0x55: {  	v3 =	vand.u32 $0x7, v3  }
0x56: {  	v3 =	vor.u32 v3, v4  }
0x57: {  	v4 =	vperm.xlane v3, v0;
	_ =	sdelay $0x1  }
0x58: {  	v4 =	vadd.s32 v1, v4;
	_ =	sdelay $0x3  }
0x59: {  	v3 =	vperm.xlane v3, v2  }
0x5a: {  	[tilespmem:s11], [sflag:$0x1] =	stream.indirect_vreg.gather [hbm4b:s2+s3], $0x80, v4, vm0, $0xb8;
	[tilespmem:$0x18100] =	vst v63  }
0x5b: {  	v3 =	vadd.s32 v1, v3  }
0x5c: {  	[tilespmem:s8], [sflag:$0x1] =	stream.indirect_vreg.gather [hbm4b:s5+s3], $0x80, v4, vm0, $0xb8;
	[tilespmem:$0x18100] =	vst v63  }
0x5d: {  	_ = 	snop  }
0x5e: {  	[tilespmem:s9], [sflag:$0x1] =	stream.indirect_vreg.gather [hbm4b:s6+s3], $0x80, v4, vm0, $0xb8;
	[tilespmem:$0x18100] =	vst v63  }
0x5f: {  	s4 =	simm.s32 $0xA900  }
0x60: {  	[tilespmem:s4], [sflag:$0x1] =	stream.indirect_vreg.gather [hbm4b:s2+s3], $0x80, v3, vm0, $0xb8;
	[tilespmem:$0x18100] =	vst v63  }
0x61: {  	s15 =	simm.s32 $0xB100  }
0x62: {  	[tilespmem:s15], [sflag:$0x1] =	stream.indirect_vreg.gather [hbm4b:s5+s3], $0x80, v3, vm0, $0xb8;
	[tilespmem:$0x18100] =	vst v63  }
0x63: {  	s0 =	simm.s32 $0x1;
	s15 =	simm.s32 $0xB900  }
0x64: {  	[tilespmem:s15], [sflag:$0x1] =	stream.indirect_vreg.gather [hbm4b:s6+s3], $0x80, v3, vm0, $0xb8;
	[tilespmem:$0x18100] =	vst v63  }
0x65: {  	_ =	swait.ge [sflag:s0], $0xC000  }
0x66: {  	[sflag:s0] =	ssyncset.done $0x0  }
0x67: {  	s15 =	rddreg [dreg:$0x7];
	[sflag:s0] =	ssyncadd.s32 $0xFFFF4000  }
0x68: {  	[hbm4b:s15+s3] =	stream.linear.scatter [tilespmem:s10], [sflag:$0x3], $0xC000, $0x38;
	[tilespmem:$0x18100] =	vst v63  }
0x69: {  	v3 =	vld [tilespmem:$0x40];
	_ =	sdelay $0x4  }
0x6a: {  	v52 =	vshrl.u32 v3, $0x3  }
0x6b: {  	v4 =	vmul.u32 $0x30, v52  }
0x6c: {  	v3 =	vand.u32 $0x7, v3  }
0x6d: {  	v3 =	vor.u32 v3, v4  }
0x6e: {  	v4 =	vperm.xlane v3, v0;
	_ =	sdelay $0x1  }
0x6f: {  	v4 =	vadd.s32 v1, v4;
	_ =	sdelay $0x3  }
0x70: {  	v3 =	vperm.xlane v3, v2  }
0x71: {  	[tilespmem:s1], [sflag:$0x2] =	stream.indirect_vreg.gather [hbm4b:s2+s3], $0x80, v4, vm0, $0xb8;
	[tilespmem:$0x18100] =	vst v63  }
0x72: {  	s15 =	simm.s32 $0xC900;
	v3 =	vadd.s32 v1, v3  }
0x73: {  	[tilespmem:s15], [sflag:$0x2] =	stream.indirect_vreg.gather [hbm4b:s5+s3], $0x80, v4, vm0, $0xb8;
	[tilespmem:$0x18100] =	vst v63  }
0x74: {  	s15 =	simm.s32 $0xD100  }
0x75: {  	[tilespmem:s15], [sflag:$0x2] =	stream.indirect_vreg.gather [hbm4b:s6+s3], $0x80, v4, vm0, $0xb8;
	[tilespmem:$0x18100] =	vst v63  }
0x76: {  	s15 =	simm.s32 $0xD900  }
0x77: {  	[tilespmem:s15], [sflag:$0x2] =	stream.indirect_vreg.gather [hbm4b:s2+s3], $0x80, v3, vm0, $0xb8;
	[tilespmem:$0x18100] =	vst v63  }
0x78: {  	s15 =	simm.s32 $0xE100  }
0x79: {  	[tilespmem:s15], [sflag:$0x2] =	stream.indirect_vreg.gather [hbm4b:s5+s3], $0x80, v3, vm0, $0xb8;
	[tilespmem:$0x18100] =	vst v63  }
0x7a: {  	s15 =	simm.s32 $0xE900  }
0x7b: {  	[tilespmem:s15], [sflag:$0x2] =	stream.indirect_vreg.gather [hbm4b:s6+s3], $0x80, v3, vm0, $0xb8;
	[tilespmem:$0x18100] =	vst v63  }
0x7c: {  	v3 =	vld [tilespmem:$0x50];
	_ =	sdelay $0x4  }
0x7d: {  	v53 =	vshrl.u32 v3, $0x3  }
0x7e: {  	v4 =	vmul.u32 $0x30, v53  }
0x7f: {  	v3 =	vand.u32 $0x7, v3  }
0x80: {  	v3 =	vor.u32 v3, v4  }
0x81: {  	v4 =	vperm.xlane v3, v0;
	_ =	sdelay $0x1  }
0x82: {  	v4 =	vadd.s32 v1, v4;
	_ =	sdelay $0x3  }
0x83: {  	s15 =	simm.s32 $0xF100;
	v3 =	vperm.xlane v3, v2  }
0x84: {  	[tilespmem:s15], [sflag:$0x2] =	stream.indirect_vreg.gather [hbm4b:s2+s3], $0x80, v4, vm0, $0xb8;
	[tilespmem:$0x18100] =	vst v63  }
0x85: {  	v3 =	vadd.s32 v1, v3;
	s15 =	simm.s32 $0xF900  }
0x86: {  	[tilespmem:s15], [sflag:$0x2] =	stream.indirect_vreg.gather [hbm4b:s5+s3], $0x80, v4, vm0, $0xb8;
	[tilespmem:$0x18100] =	vst v63  }
0x87: {  	s15 =	simm.s32 $0x10100  }
0x88: {  	[tilespmem:s15], [sflag:$0x2] =	stream.indirect_vreg.gather [hbm4b:s6+s3], $0x80, v4, vm0, $0xb8;
	[tilespmem:$0x18100] =	vst v63  }
0x89: {  	s15 =	simm.s32 $0x10900  }
0x8a: {  	[tilespmem:s15], [sflag:$0x2] =	stream.indirect_vreg.gather [hbm4b:s2+s3], $0x80, v3, vm0, $0xb8;
	[tilespmem:$0x18100] =	vst v63  }
0x8b: {  	s15 =	simm.s32 $0x11100  }
0x8c: {  	[tilespmem:s15], [sflag:$0x2] =	stream.indirect_vreg.gather [hbm4b:s5+s3], $0x80, v3, vm0, $0xb8;
	[tilespmem:$0x18100] =	vst v63  }
0x8d: {  	s15 =	simm.s32 $0x11900  }
0x8e: {  	[tilespmem:s15], [sflag:$0x2] =	stream.indirect_vreg.gather [hbm4b:s6+s3], $0x80, v3, vm0, $0xb8;
	[tilespmem:$0x18100] =	vst v63  }
0x8f: {  	v3 =	vld [tilespmem:$0x60];
	_ =	sdelay $0x4  }
0x90: {  	v54 =	vshrl.u32 v3, $0x3  }
0x91: {  	v4 =	vmul.u32 $0x30, v54  }
0x92: {  	v3 =	vand.u32 $0x7, v3  }
0x93: {  	v3 =	vor.u32 v3, v4  }
0x94: {  	v4 =	vperm.xlane v3, v0;
	_ =	sdelay $0x1  }
0x95: {  	v4 =	vadd.s32 v1, v4;
	_ =	sdelay $0x3  }
0x96: {  	s15 =	simm.s32 $0x12100;
	v3 =	vperm.xlane v3, v2  }
0x97: {  	[tilespmem:s15], [sflag:$0x2] =	stream.indirect_vreg.gather [hbm4b:s2+s3], $0x80, v4, vm0, $0xb8;
	[tilespmem:$0x18100] =	vst v63  }
0x98: {  	v3 =	vadd.s32 v1, v3;
	s15 =	simm.s32 $0x12900  }
0x99: {  	[tilespmem:s15], [sflag:$0x2] =	stream.indirect_vreg.gather [hbm4b:s5+s3], $0x80, v4, vm0, $0xb8;
	[tilespmem:$0x18100] =	vst v63  }
0x9a: {  	s15 =	simm.s32 $0x13100  }
0x9b: {  	[tilespmem:s15], [sflag:$0x2] =	stream.indirect_vreg.gather [hbm4b:s6+s3], $0x80, v4, vm0, $0xb8;
	[tilespmem:$0x18100] =	vst v63  }
0x9c: {  	s15 =	simm.s32 $0x13900  }
0x9d: {  	[tilespmem:s15], [sflag:$0x2] =	stream.indirect_vreg.gather [hbm4b:s2+s3], $0x80, v3, vm0, $0xb8;
	[tilespmem:$0x18100] =	vst v63  }
0x9e: {  	s15 =	simm.s32 $0x14100  }
0x9f: {  	[tilespmem:s15], [sflag:$0x2] =	stream.indirect_vreg.gather [hbm4b:s5+s3], $0x80, v3, vm0, $0xb8;
	[tilespmem:$0x18100] =	vst v63  }
0xa0: {  	s15 =	simm.s32 $0x14900  }
0xa1: {  	[tilespmem:s15], [sflag:$0x2] =	stream.indirect_vreg.gather [hbm4b:s6+s3], $0x80, v3, vm0, $0xb8;
	[tilespmem:$0x18100] =	vst v63  }
0xa2: {  	v3 =	vld [tilespmem:$0x70];
	_ =	sdelay $0x4  }
0xa3: {  	v55 =	vshrl.u32 v3, $0x3  }
0xa4: {  	v4 =	vmul.u32 $0x30, v55  }
0xa5: {  	v3 =	vand.u32 $0x7, v3  }
0xa6: {  	v3 =	vor.u32 v3, v4  }
0xa7: {  	v4 =	vperm.xlane v3, v0;
	_ =	sdelay $0x1  }
0xa8: {  	v4 =	vadd.s32 v1, v4;
	_ =	sdelay $0x3  }
0xa9: {  	s15 =	simm.s32 $0x15100;
	v3 =	vperm.xlane v3, v2  }
0xaa: {  	[tilespmem:s15], [sflag:$0x2] =	stream.indirect_vreg.gather [hbm4b:s2+s3], $0x80, v4, vm0, $0xb8;
	[tilespmem:$0x18100] =	vst v63  }
0xab: {  	v3 =	vadd.s32 v1, v3;
	s15 =	simm.s32 $0x15900  }
0xac: {  	[tilespmem:s15], [sflag:$0x2] =	stream.indirect_vreg.gather [hbm4b:s5+s3], $0x80, v4, vm0, $0xb8;
	[tilespmem:$0x18100] =	vst v63  }
0xad: {  	s15 =	simm.s32 $0x16100  }
0xae: {  	[tilespmem:s15], [sflag:$0x2] =	stream.indirect_vreg.gather [hbm4b:s6+s3], $0x80, v4, vm0, $0xb8;
	[tilespmem:$0x18100] =	vst v63  }
0xaf: {  	s15 =	simm.s32 $0x16900  }
0xb0: {  	[tilespmem:s15], [sflag:$0x2] =	stream.indirect_vreg.gather [hbm4b:s2+s3], $0x80, v3, vm0, $0xb8;
	[tilespmem:$0x18100] =	vst v63  }
0xb1: {  	s15 =	simm.s32 $0x17100  }
0xb2: {  	[tilespmem:s15], [sflag:$0x2] =	stream.indirect_vreg.gather [hbm4b:s5+s3], $0x80, v3, vm0, $0xb8;
	[tilespmem:$0x18100] =	vst v63  }
0xb3: {  	s15 =	simm.s32 $0x17900  }
0xb4: {  	[tilespmem:s15], [sflag:$0x2] =	stream.indirect_vreg.gather [hbm4b:s6+s3], $0x80, v3, vm0, $0xb8;
	[tilespmem:$0x18100] =	vst v63  }
0xb5: {  	_ =	swait.ge [sflag:s12], $0xC000  }
0xb6: {  	[sflag:s12] =	ssyncset.done $0x0  }
0xb7: {  	s15 =	rddreg [dreg:$0x4];
	[sflag:s12] =	ssyncadd.s32 $0xFFFF4000  }
0xb8: {  	[hbm4b:s15+s3] =	stream.linear.scatter [tilespmem:s1], [sflag:$0x4], $0xC000, $0x38;
	[tilespmem:$0x18100] =	vst v63  }
0xb9: {  	_ =	swait.ge [sflag:s13], $0xC000  }
0xba: {  	[sflag:s13] =	ssyncset.done $0x0  }
0xbb: {  	[sflag:s13] =	ssyncadd.s32 $0xFFFF4000  }
0xbc: {  	v3 =	vld [tilespmem:$0x80];
	_ =	sdelay $0x4  }
0xbd: {  	v56 =	vshrl.u32 v3, $0x3  }
0xbe: {  	v4 =	vmul.u32 $0x30, v56  }
0xbf: {  	v3 =	vand.u32 $0x7, v3  }
0xc0: {  	v3 =	vor.u32 v3, v4  }
0xc1: {  	v4 =	vperm.xlane v3, v0;
	_ =	sdelay $0x1  }
0xc2: {  	v4 =	vadd.s32 v1, v4;
	_ =	sdelay $0x3  }
0xc3: {  	v3 =	vperm.xlane v3, v2  }
0xc4: {  	[tilespmem:s10], [sflag:$0x1] =	stream.indirect_vreg.gather [hbm4b:s2+s3], $0x80, v4, vm0, $0xb8;
	[tilespmem:$0x18100] =	vst v63  }
0xc5: {  	v3 =	vadd.s32 v1, v3  }
0xc6: {  	[tilespmem:s16], [sflag:$0x1] =	stream.indirect_vreg.gather [hbm4b:s5+s3], $0x80, v4, vm0, $0xb8;
	[tilespmem:$0x18100] =	vst v63  }
0xc7: {  	_ = 	snop  }
0xc8: {  	[tilespmem:s17], [sflag:$0x1] =	stream.indirect_vreg.gather [hbm4b:s6+s3], $0x80, v4, vm0, $0xb8;
	[tilespmem:$0x18100] =	vst v63  }
0xc9: {  	_ = 	snop  }
0xca: {  	[tilespmem:s18], [sflag:$0x1] =	stream.indirect_vreg.gather [hbm4b:s2+s3], $0x80, v3, vm0, $0xb8;
	[tilespmem:$0x18100] =	vst v63  }
0xcb: {  	_ = 	snop  }
0xcc: {  	[tilespmem:s19], [sflag:$0x1] =	stream.indirect_vreg.gather [hbm4b:s5+s3], $0x80, v3, vm0, $0xb8;
	[tilespmem:$0x18100] =	vst v63  }
0xcd: {  	_ = 	snop  }
0xce: {  	[tilespmem:s20], [sflag:$0x1] =	stream.indirect_vreg.gather [hbm4b:s6+s3], $0x80, v3, vm0, $0xb8;
	[tilespmem:$0x18100] =	vst v63  }
0xcf: {  	v3 =	vld [tilespmem:$0x90];
	_ =	sdelay $0x4  }
0xd0: {  	v57 =	vshrl.u32 v3, $0x3  }
0xd1: {  	v4 =	vmul.u32 $0x30, v57  }
0xd2: {  	v3 =	vand.u32 $0x7, v3  }
0xd3: {  	v3 =	vor.u32 v3, v4  }
0xd4: {  	v4 =	vperm.xlane v3, v0;
	_ =	sdelay $0x1  }
0xd5: {  	v4 =	vadd.s32 v1, v4;
	_ =	sdelay $0x3  }
0xd6: {  	v3 =	vperm.xlane v3, v2  }
0xd7: {  	[tilespmem:s21], [sflag:$0x1] =	stream.indirect_vreg.gather [hbm4b:s2+s3], $0x80, v4, vm0, $0xb8;
	[tilespmem:$0x18100] =	vst v63  }
0xd8: {  	v3 =	vadd.s32 v1, v3  }
0xd9: {  	[tilespmem:s22], [sflag:$0x1] =	stream.indirect_vreg.gather [hbm4b:s5+s3], $0x80, v4, vm0, $0xb8;
	[tilespmem:$0x18100] =	vst v63  }
0xda: {  	_ = 	snop  }
0xdb: {  	[tilespmem:s23], [sflag:$0x1] =	stream.indirect_vreg.gather [hbm4b:s6+s3], $0x80, v4, vm0, $0xb8;
	[tilespmem:$0x18100] =	vst v63  }
0xdc: {  	_ = 	snop  }
0xdd: {  	[tilespmem:s24], [sflag:$0x1] =	stream.indirect_vreg.gather [hbm4b:s2+s3], $0x80, v3, vm0, $0xb8;
	[tilespmem:$0x18100] =	vst v63  }
0xde: {  	_ = 	snop  }
0xdf: {  	[tilespmem:s25], [sflag:$0x1] =	stream.indirect_vreg.gather [hbm4b:s5+s3], $0x80, v3, vm0, $0xb8;
	[tilespmem:$0x18100] =	vst v63  }
0xe0: {  	_ = 	snop  }
0xe1: {  	[tilespmem:s26], [sflag:$0x1] =	stream.indirect_vreg.gather [hbm4b:s6+s3], $0x80, v3, vm0, $0xb8;
	[tilespmem:$0x18100] =	vst v63  }
0xe2: {  	v3 =	vld [tilespmem:$0xA0];
	_ =	sdelay $0x4  }
0xe3: {  	v58 =	vshrl.u32 v3, $0x3  }
0xe4: {  	v4 =	vmul.u32 $0x30, v58  }
0xe5: {  	v3 =	vand.u32 $0x7, v3  }
0xe6: {  	v3 =	vor.u32 v3, v4  }
0xe7: {  	v4 =	vperm.xlane v3, v0;
	_ =	sdelay $0x1  }
0xe8: {  	v4 =	vadd.s32 v1, v4;
	_ =	sdelay $0x3  }
0xe9: {  	v3 =	vperm.xlane v3, v2  }
0xea: {  	[tilespmem:s28], [sflag:$0x1] =	stream.indirect_vreg.gather [hbm4b:s2+s3], $0x80, v4, vm0, $0xb8;
	[tilespmem:$0x18100] =	vst v63  }
0xeb: {  	v3 =	vadd.s32 v1, v3  }
0xec: {  	[tilespmem:s29], [sflag:$0x1] =	stream.indirect_vreg.gather [hbm4b:s5+s3], $0x80, v4, vm0, $0xb8;
	[tilespmem:$0x18100] =	vst v63  }
0xed: {  	_ = 	snop  }
0xee: {  	[tilespmem:s30], [sflag:$0x1] =	stream.indirect_vreg.gather [hbm4b:s6+s3], $0x80, v4, vm0, $0xb8;
	[tilespmem:$0x18100] =	vst v63  }
0xef: {  	_ = 	snop  }
0xf0: {  	[tilespmem:s31], [sflag:$0x1] =	stream.indirect_vreg.gather [hbm4b:s2+s3], $0x80, v3, vm0, $0xb8;
	[tilespmem:$0x18100] =	vst v63  }
0xf1: {  	s15 =	simm.s32 $0x8100  }
0xf2: {  	[tilespmem:s15], [sflag:$0x1] =	stream.indirect_vreg.gather [hbm4b:s5+s3], $0x80, v3, vm0, $0xb8;
	[tilespmem:$0x18100] =	vst v63  }
0xf3: {  	s15 =	simm.s32 $0x8900  }
0xf4: {  	[tilespmem:s15], [sflag:$0x1] =	stream.indirect_vreg.gather [hbm4b:s6+s3], $0x80, v3, vm0, $0xb8;
	[tilespmem:$0x18100] =	vst v63  }
0xf5: {  	v3 =	vld [tilespmem:$0xB0];
	_ =	sdelay $0x4  }
0xf6: {  	v59 =	vshrl.u32 v3, $0x3  }
0xf7: {  	v4 =	vmul.u32 $0x30, v59  }
0xf8: {  	v3 =	vand.u32 $0x7, v3  }
0xf9: {  	v3 =	vor.u32 v3, v4  }
0xfa: {  	v4 =	vperm.xlane v3, v0;
	_ =	sdelay $0x1  }
0xfb: {  	v4 =	vadd.s32 v1, v4;
	_ =	sdelay $0x3  }
0xfc: {  	v3 =	vperm.xlane v3, v2  }
0xfd: {  	[tilespmem:s11], [sflag:$0x1] =	stream.indirect_vreg.gather [hbm4b:s2+s3], $0x80, v4, vm0, $0xb8;
	[tilespmem:$0x18100] =	vst v63  }
0xfe: {  	v3 =	vadd.s32 v1, v3  }
0xff: {  	[tilespmem:s8], [sflag:$0x1] =	stream.indirect_vreg.gather [hbm4b:s5+s3], $0x80, v4, vm0, $0xb8;
	[tilespmem:$0x18100] =	vst v63  }
0x100: {  	_ = 	snop  }
0x101: {  	[tilespmem:s9], [sflag:$0x1] =	stream.indirect_vreg.gather [hbm4b:s6+s3], $0x80, v4, vm0, $0xb8;
	[tilespmem:$0x18100] =	vst v63  }
0x102: {  	_ = 	snop  }
0x103: {  	[tilespmem:s4], [sflag:$0x1] =	stream.indirect_vreg.gather [hbm4b:s2+s3], $0x80, v3, vm0, $0xb8;
	[tilespmem:$0x18100] =	vst v63  }
0x104: {  	s15 =	simm.s32 $0xB100  }
0x105: {  	[tilespmem:s15], [sflag:$0x1] =	stream.indirect_vreg.gather [hbm4b:s5+s3], $0x80, v3, vm0, $0xb8;
	[tilespmem:$0x18100] =	vst v63  }
0x106: {  	s15 =	simm.s32 $0xB900  }
0x107: {  	[tilespmem:s15], [sflag:$0x1] =	stream.indirect_vreg.gather [hbm4b:s6+s3], $0x80, v3, vm0, $0xb8;
	[tilespmem:$0x18100] =	vst v63  }
0x108: {  	_ =	swait.ge [sflag:s0], $0xC000  }
0x109: {  	[sflag:s0] =	ssyncset.done $0x0  }
0x10a: {  	s4 =	rddreg [dreg:$0x5];
	[sflag:s0] =	ssyncadd.s32 $0xFFFF4000  }
0x10b: {  	[hbm4b:s4+s3] =	stream.linear.scatter [tilespmem:s10], [sflag:$0x3], $0xC000, $0x38;
	[tilespmem:$0x18100] =	vst v63  }
0x10c: {  	_ =	swait.ge [sflag:s14], $0xC000  }
0x10d: {  	[sflag:s14] =	ssyncset.done $0x0  }
0x10e: {  	[sflag:s14] =	ssyncadd.s32 $0xFFFF4000  }
0x10f: {  	v3 =	vld [tilespmem:$0xC0];
	_ =	sdelay $0x4  }
0x110: {  	v60 =	vshrl.u32 v3, $0x3  }
0x111: {  	v4 =	vmul.u32 $0x30, v60  }
0x112: {  	v3 =	vand.u32 $0x7, v3  }
0x113: {  	v3 =	vor.u32 v3, v4  }
0x114: {  	v4 =	vperm.xlane v3, v0;
	_ =	sdelay $0x1  }
0x115: {  	v4 =	vadd.s32 v1, v4;
	_ =	sdelay $0x3  }
0x116: {  	v3 =	vperm.xlane v3, v2  }
0x117: {  	[tilespmem:s1], [sflag:$0x2] =	stream.indirect_vreg.gather [hbm4b:s2+s3], $0x80, v4, vm0, $0xb8;
	[tilespmem:$0x18100] =	vst v63  }
0x118: {  	s15 =	simm.s32 $0xC900;
	v3 =	vadd.s32 v1, v3  }
0x119: {  	[tilespmem:s15], [sflag:$0x2] =	stream.indirect_vreg.gather [hbm4b:s5+s3], $0x80, v4, vm0, $0xb8;
	[tilespmem:$0x18100] =	vst v63  }
0x11a: {  	s4 =	simm.s32 $0xD100  }
0x11b: {  	[tilespmem:s4], [sflag:$0x2] =	stream.indirect_vreg.gather [hbm4b:s6+s3], $0x80, v4, vm0, $0xb8;
	[tilespmem:$0x18100] =	vst v63  }
0x11c: {  	s15 =	simm.s32 $0xD900  }
0x11d: {  	[tilespmem:s15], [sflag:$0x2] =	stream.indirect_vreg.gather [hbm4b:s2+s3], $0x80, v3, vm0, $0xb8;
	[tilespmem:$0x18100] =	vst v63  }
0x11e: {  	s4 =	simm.s32 $0xE100  }
0x11f: {  	[tilespmem:s4], [sflag:$0x2] =	stream.indirect_vreg.gather [hbm4b:s5+s3], $0x80, v3, vm0, $0xb8;
	[tilespmem:$0x18100] =	vst v63  }
0x120: {  	s15 =	simm.s32 $0xE900  }
0x121: {  	[tilespmem:s15], [sflag:$0x2] =	stream.indirect_vreg.gather [hbm4b:s6+s3], $0x80, v3, vm0, $0xb8;
	[tilespmem:$0x18100] =	vst v63  }
0x122: {  	v3 =	vld [tilespmem:$0xD0];
	_ =	sdelay $0x4  }
0x123: {  	v61 =	vshrl.u32 v3, $0x3  }
0x124: {  	v4 =	vmul.u32 $0x30, v61  }
0x125: {  	v3 =	vand.u32 $0x7, v3  }
0x126: {  	v3 =	vor.u32 v3, v4  }
0x127: {  	v4 =	vperm.xlane v3, v0;
	_ =	sdelay $0x1  }
0x128: {  	v4 =	vadd.s32 v1, v4;
	_ =	sdelay $0x3  }
0x129: {  	s4 =	simm.s32 $0xF100;
	v3 =	vperm.xlane v3, v2  }
0x12a: {  	[tilespmem:s4], [sflag:$0x2] =	stream.indirect_vreg.gather [hbm4b:s2+s3], $0x80, v4, vm0, $0xb8;
	[tilespmem:$0x18100] =	vst v63  }
0x12b: {  	s15 =	simm.s32 $0xF900;
	v3 =	vadd.s32 v1, v3  }
0x12c: {  	[tilespmem:s15], [sflag:$0x2] =	stream.indirect_vreg.gather [hbm4b:s5+s3], $0x80, v4, vm0, $0xb8;
	[tilespmem:$0x18100] =	vst v63  }
0x12d: {  	s4 =	simm.s32 $0x10100  }
0x12e: {  	[tilespmem:s4], [sflag:$0x2] =	stream.indirect_vreg.gather [hbm4b:s6+s3], $0x80, v4, vm0, $0xb8;
	[tilespmem:$0x18100] =	vst v63  }
0x12f: {  	s15 =	simm.s32 $0x10900  }
0x130: {  	[tilespmem:s15], [sflag:$0x2] =	stream.indirect_vreg.gather [hbm4b:s2+s3], $0x80, v3, vm0, $0xb8;
	[tilespmem:$0x18100] =	vst v63  }
0x131: {  	s4 =	simm.s32 $0x11100  }
0x132: {  	[tilespmem:s4], [sflag:$0x2] =	stream.indirect_vreg.gather [hbm4b:s5+s3], $0x80, v3, vm0, $0xb8;
	[tilespmem:$0x18100] =	vst v63  }
0x133: {  	s15 =	simm.s32 $0x11900  }
0x134: {  	[tilespmem:s15], [sflag:$0x2] =	stream.indirect_vreg.gather [hbm4b:s6+s3], $0x80, v3, vm0, $0xb8;
	[tilespmem:$0x18100] =	vst v63  }
0x135: {  	v3 =	vld [tilespmem:$0xE0];
	_ =	sdelay $0x4  }
0x136: {  	v62 =	vshrl.u32 v3, $0x3  }
0x137: {  	v4 =	vmul.u32 $0x30, v62  }
0x138: {  	v3 =	vand.u32 $0x7, v3  }
0x139: {  	v3 =	vor.u32 v3, v4  }
0x13a: {  	v4 =	vperm.xlane v3, v0;
	_ =	sdelay $0x1  }
0x13b: {  	v4 =	vadd.s32 v1, v4;
	_ =	sdelay $0x3  }
0x13c: {  	s4 =	simm.s32 $0x12100;
	v3 =	vperm.xlane v3, v2  }
0x13d: {  	[tilespmem:s4], [sflag:$0x2] =	stream.indirect_vreg.gather [hbm4b:s2+s3], $0x80, v4, vm0, $0xb8;
	[tilespmem:$0x18100] =	vst v63  }
0x13e: {  	s15 =	simm.s32 $0x12900;
	v3 =	vadd.s32 v1, v3  }
0x13f: {  	[tilespmem:s15], [sflag:$0x2] =	stream.indirect_vreg.gather [hbm4b:s5+s3], $0x80, v4, vm0, $0xb8;
	[tilespmem:$0x18100] =	vst v63  }
0x140: {  	s4 =	simm.s32 $0x13100  }
0x141: {  	[tilespmem:s4], [sflag:$0x2] =	stream.indirect_vreg.gather [hbm4b:s6+s3], $0x80, v4, vm0, $0xb8;
	[tilespmem:$0x18100] =	vst v63  }
0x142: {  	s15 =	simm.s32 $0x13900  }
0x143: {  	[tilespmem:s15], [sflag:$0x2] =	stream.indirect_vreg.gather [hbm4b:s2+s3], $0x80, v3, vm0, $0xb8;
	[tilespmem:$0x18100] =	vst v63  }
0x144: {  	s4 =	simm.s32 $0x14100  }
0x145: {  	[tilespmem:s4], [sflag:$0x2] =	stream.indirect_vreg.gather [hbm4b:s5+s3], $0x80, v3, vm0, $0xb8;
	[tilespmem:$0x18100] =	vst v63  }
0x146: {  	s15 =	simm.s32 $0x14900  }
0x147: {  	[tilespmem:s15], [sflag:$0x2] =	stream.indirect_vreg.gather [hbm4b:s6+s3], $0x80, v3, vm0, $0xb8;
	[tilespmem:$0x18100] =	vst v63  }
0x148: {  	v3 =	vld [tilespmem:$0xF0];
	_ =	sdelay $0x4  }
0x149: {  	v63 =	vshrl.u32 v3, $0x3  }
0x14a: {  	v4 =	vmul.u32 $0x30, v63  }
0x14b: {  	v3 =	vand.u32 $0x7, v3  }
0x14c: {  	v3 =	vor.u32 v3, v4  }
0x14d: {  	v4 =	vperm.xlane v3, v0;
	_ =	sdelay $0x1  }
0x14e: {  	v4 =	vadd.s32 v1, v4;
	_ =	sdelay $0x3  }
0x14f: {  	s4 =	simm.s32 $0x15100;
	v3 =	vperm.xlane v3, v2  }
0x150: {  	[tilespmem:s4], [sflag:$0x2] =	stream.indirect_vreg.gather [hbm4b:s2+s3], $0x80, v4, vm0, $0xb8;
	[tilespmem:$0x18100] =	vst v63  }
0x151: {  	s15 =	simm.s32 $0x15900;
	v3 =	vadd.s32 v1, v3  }
0x152: {  	[tilespmem:s15], [sflag:$0x2] =	stream.indirect_vreg.gather [hbm4b:s5+s3], $0x80, v4, vm0, $0xb8;
	[tilespmem:$0x18100] =	vst v63  }
0x153: {  	s4 =	simm.s32 $0x16100  }
0x154: {  	[tilespmem:s4], [sflag:$0x2] =	stream.indirect_vreg.gather [hbm4b:s6+s3], $0x80, v4, vm0, $0xb8;
	[tilespmem:$0x18100] =	vst v63  }
0x155: {  	s15 =	simm.s32 $0x16900  }
0x156: {  	[tilespmem:s15], [sflag:$0x2] =	stream.indirect_vreg.gather [hbm4b:s2+s3], $0x80, v3, vm0, $0xb8;
	[tilespmem:$0x18100] =	vst v63  }
0x157: {  	s4 =	simm.s32 $0x17100  }
0x158: {  	[tilespmem:s4], [sflag:$0x2] =	stream.indirect_vreg.gather [hbm4b:s5+s3], $0x80, v3, vm0, $0xb8;
	[tilespmem:$0x18100] =	vst v63  }
0x159: {  	s15 =	simm.s32 $0x17900  }
0x15a: {  	[tilespmem:s15], [sflag:$0x2] =	stream.indirect_vreg.gather [hbm4b:s6+s3], $0x80, v3, vm0, $0xb8;
	[tilespmem:$0x18100] =	vst v63  }
0x15b: {  	_ =	swait.ge [sflag:s12], $0xC000  }
0x15c: {  	[sflag:s12] =	ssyncset.done $0x0  }
0x15d: {  	s4 =	rddreg [dreg:$0x6];
	[sflag:s12] =	ssyncadd.s32 $0xFFFF4000  }
0x15e: {  	[hbm4b:s4+s3] =	stream.linear.scatter [tilespmem:s1], [sflag:$0x4], $0xC000, $0x38;
	[tilespmem:$0x18100] =	vst v63  }
0x15f: {  	p0 =	sne.s32 s7, $0x1;
	_ =	swait.ge [sflag:s13], $0xC000  }
.Ltmp0:
0x160: {  	[sflag:s13] =	ssyncset.done $0x0;
	(pc) =	sbr.rel @p0 .LBB2_1-.Ltmp0, $4  }
0x161: {  	[sflag:s13] =	ssyncadd.s32 $0xFFFF4000  }
0x162: {  	_ =	swait.ge [sflag:s14], $0xC000  }
0x163: {  	[sflag:s14] =	ssyncset.done $0x0  }
0x164: {  	s7 =	sadd.s32 $0xFFFFFFFF, s7;
	[sflag:s14] =	ssyncadd.s32 $0xFFFF4000  }
0x165: {  	_ =	sfence.sel $0x180000  }
0x166: {  	[bflag:$0x0] =	sbarrier.arrive $0xFFFF  }
0x167: {  	_ =	strace $0x9000004A  }
0x168: {  	s0 =	stileid.u32;
	[bflag:$0x2] =	sbarrier.arrive $0xFFFF  }
0x169: {  	p0 =	sne.s32 s0, $0x0;
	s0 =	rddreg [dreg:$0x2]  }
0x16a: {  	s0 =	sadd.s32 @!p0 $0x100000, s0  }
0x16b: {  	[sflag:s0] =	ssyncadd.tile.s32 @!p0 $0x1;
	_ =	shalt  }
.Lfunc_end2:
_tile_overlayer_lowered:
.L_overlay_start_2:
0x16c: {  	(tag) =	ssettag $0x2  }
0x16d: {  	s0 =	rddreg [dreg:$0x0];
	s2 =	stileid.u32  }
0x16e: {  	s1 =	rddreg [dreg:$0x1];
	p0 =	sne.s32 s2, $0x0  }
0x16f: {  	s3 =	rddreg [dreg:$0x2];
	[bflag:$0x3] =	sbarrier.arrive $0xFFFF;
	s2 =	simm.s32 @!p0 $0x1C05  }
0x170: {  	[timem:s3], [sflag:s2] =	dma.local @!p0 [hbm:s0], s1  }
0x171: {  	s0 =	simm.s32 @!p0 $0x5  }
0x172: {  	_ =	swait.ge @!p0 [sflag:s0], s1  }
0x173: {  	s1 =	ssub.s32 @!p0 $0x0, s1;
	[sflag:s0] =	ssyncset.done @!p0 $0x0  }
0x174: {  	[sflag:s0] =	ssyncadd.s32 @!p0 s1  }
0x175: {  	[bflag:$0x3] =	sbarrier.arrive $0xFFFF  }
0x176: {  	_ =	shalt  }

</sc_bundles>
